<compile_context>
chip_gen: v7x
topology: tpu7x:2x2x1
jax: 0.10.2.dev20260603
libtpu: 0.0.44.dev20260713+nightly
codegen_flags: <defaults>
</compile_context>

<pallas_src>
import functools

import jax
import jax.numpy as jnp
from jax import lax
from jax.experimental import pallas as pl
from jax.experimental.pallas import tpu as pltpu
from jax.experimental.pallas import tpu_sc as plsc

VOCAB = 1000
EMBD = 128
SEQ = 50
BATCH = 1024

NUM_CORES = 2
NUM_SUBCORES = 16
LANES = 16
NW = NUM_CORES * NUM_SUBCORES
VREGS_PER_ROW = EMBD // LANES

CHUNK_ROWS = 256
CHUNKS = (BATCH * SEQ) // CHUNK_ROWS

ONE_HOT_T = 11



def _gather_body(g0, n_chunks, tok_hbm, pos_hbm, idxq_hbm, x_hbm,
                 pos_v, idx_v0, idx_v1, buf0, buf1, sem):
    c = lax.axis_index("c")
    s = lax.axis_index("s")
    wid = s * NUM_CORES + c
    pltpu.sync_copy(pos_hbm, pos_v)

    idx_vs = (idx_v0, idx_v1)
    bufs = (buf0, buf1)

    def start(i):
        g = i * NW + wid
        idx_v, buf = idx_vs[i % 2], bufs[i % 2]
        pltpu.sync_copy(idxq_hbm.at[g0 + g], idx_v)
        return [pltpu.async_copy(tok_hbm.at[idx_v.at[h]],
                                 buf.at[pl.ds(h * 128, 128)], sem)
                for h in range(2)]

    def finish(i, copies):
        g = i * NW + wid
        t = (g0 + g) // 4
        buf = bufs[i % 2]
        for cp in copies:
            cp.wait()
        pos = [pos_v[t, pl.ds(j * LANES, LANES)] for j in range(VREGS_PER_ROW)]

        def row(r, rc):
            for j in range(VREGS_PER_ROW):
                sl = pl.ds(j * LANES, LANES)
                buf[r, sl] = buf[r, sl] + pos[j]
            return rc

        lax.fori_loop(0, CHUNK_ROWS, row, 0)
        pltpu.sync_copy(buf, x_hbm.at[g])

    full = n_chunks // NW
    rem = n_chunks - full * NW
    live = start(0)
    for i in range(1, full):
        nxt = start(i)
        finish(i - 1, live)
        live = nxt
    finish(full - 1, live)
    if rem:
        @pl.when(wid < rem)
        def _():
            finish(full, start(full))


def _gather_stage(tok_table, pos_table, idxq, g0, n_chunks):
    mesh = plsc.VectorSubcoreMesh(core_axis_name="c", subcore_axis_name="s")
    return pl.kernel(
        functools.partial(_gather_body, g0, n_chunks),
        out_type=jax.ShapeDtypeStruct((n_chunks, CHUNK_ROWS, EMBD), jnp.float32),
        mesh=mesh,
        scratch_types=[
            pltpu.VMEM((SEQ, EMBD), jnp.float32),
            pltpu.VMEM((2, 128), jnp.int32),
            pltpu.VMEM((2, 128), jnp.int32),
            pltpu.VMEM((CHUNK_ROWS, EMBD), jnp.float32),
            pltpu.VMEM((CHUNK_ROWS, EMBD), jnp.float32),
            pltpu.SemaphoreType.DMA,
        ],
    )(tok_table, pos_table, idxq)




def _oh_body(idxr_ref, tok_ref, pos_ref, w_ref, b_ref, o_ref, tl_s, pl_s):
    t = pl.program_id(0)

    @pl.when(t == 0)
    def _build():
        w = w_ref[...].astype(jnp.bfloat16)
        tok = tok_ref[...].astype(jnp.bfloat16)
        tl = lax.dot_general(w, tok, (((0,), (1,)), ((), ())),
                             preferred_element_type=jnp.float32)
        tl_s[...] = tl.astype(jnp.bfloat16)
        pos = pos_ref[...].astype(jnp.bfloat16)
        pj = lax.dot_general(pos, w, (((1,), (0,)), ((), ())),
                             preferred_element_type=jnp.float32)
        pl_s[...] = pj + b_ref[...]

    ids = jnp.transpose(idxr_ref[0], (1, 0))
    iota = lax.broadcasted_iota(jnp.int32, (BATCH, VOCAB), 1)
    oht = (iota == ids).astype(jnp.bfloat16)
    o = lax.dot_general(tl_s[...], oht, (((1,), (1,)), ((), ())),
                        preferred_element_type=jnp.float32)
    o_ref[0] = o + jnp.transpose(pl_s[pl.ds(t, 1), :], (1, 0))


def _oh_head_stage(idxT3, tok_table, pos_table, W, b):
    return pl.pallas_call(
        _oh_body,
        grid=(ONE_HOT_T,),
        in_specs=[
            pl.BlockSpec((1, 1, BATCH), lambda i: (i, 0, 0)),
            pl.BlockSpec((VOCAB, EMBD), lambda i: (0, 0)),
            pl.BlockSpec((SEQ, EMBD), lambda i: (0, 0)),
            pl.BlockSpec((EMBD, VOCAB), lambda i: (0, 0)),
            pl.BlockSpec((1, VOCAB), lambda i: (0, 0)),
        ],
        out_specs=pl.BlockSpec((1, VOCAB, BATCH), lambda i: (i, 0, 0)),
        out_shape=jax.ShapeDtypeStruct((SEQ, VOCAB, BATCH), jnp.float32),
        scratch_shapes=[pltpu.VMEM((VOCAB, VOCAB), jnp.bfloat16),
                        pltpu.VMEM((SEQ, VOCAB), jnp.float32)],
    )(idxT3, tok_table, pos_table, W, b.reshape(1, VOCAB))


def _x_body(x_ref, w_ref, b_ref, prev_ref, o_ref):
    del prev_ref
    xt = x_ref[0].astype(jnp.bfloat16)
    w = w_ref[...].astype(jnp.bfloat16)
    o = lax.dot_general(w, xt, (((0,), (1,)), ((), ())),
                        preferred_element_type=jnp.float32)
    o_ref[0] = o + b_ref[...]


def _x_head_stage(x3, W, b, out_prev):
    nt = x3.shape[0]
    t0 = SEQ - nt
    return pl.pallas_call(
        _x_body,
        grid=(nt,),
        in_specs=[
            pl.BlockSpec((1, BATCH, EMBD), lambda i: (i, 0, 0)),
            pl.BlockSpec((EMBD, VOCAB), lambda i: (0, 0)),
            pl.BlockSpec((VOCAB, 1), lambda i: (0, 0)),
            pl.BlockSpec(memory_space=pltpu.MemorySpace.HBM),
        ],
        out_specs=pl.BlockSpec((1, VOCAB, BATCH), lambda i: (i + t0, 0, 0)),
        out_shape=jax.ShapeDtypeStruct((SEQ, VOCAB, BATCH), jnp.float32),
        input_output_aliases={3: 0},
    )(x3, W, b.reshape(VOCAB, 1), out_prev)


@jax.jit
def kernel(idx, tok_table, pos_table, W, b):
    idxT = idx.astype(jnp.int32).T
    idxq = idxT.reshape(CHUNKS, 2, 128)
    idxT3 = idxT.reshape(SEQ, 1, BATCH)
    g0 = 4 * ONE_HOT_T
    xb = _gather_stage(tok_table, pos_table, idxq, g0, CHUNKS - g0)
    x3b = xb.reshape(SEQ - ONE_HOT_T, BATCH, EMBD)
    out_a = _oh_head_stage(idxT3, tok_table, pos_table, W, b)
    out = _x_head_stage(x3b, W, b, out_a)
    return out.transpose(2, 0, 1)

# --- scband reference (transcript-rebuilt; emitter-appended) ---
"""Pipeline reference for scband-bigram-language-model-2061584302803 (READ-ONLY COPY).

The authoritative reference and input builder live on the scoring server;
editing this copy changes nothing except your own understanding.
"""

import jax, jax.numpy as jnp
import numpy as np

VOCAB = 1000
N_EMBD = 128
BLOCK = 50
BATCH = 1024

def setup_inputs(seed: int = 0) -> dict:
    key = jax.random.key(seed)
    k_idx, k_tok, k_pos, k_w, k_b = jax.random.split(key, 5)
    idx = jax.random.randint(k_idx, (BATCH, BLOCK), 0, VOCAB, dtype=jnp.int64 if jax.config.jax_enable_x64 else jnp.int32)
    tok_table = jax.random.normal(k_tok, (VOCAB, N_EMBD), dtype=jnp.float32)
    pos_table = jax.random.normal(k_pos, (BLOCK, N_EMBD), dtype=jnp.float32)
    W = jax.random.normal(k_w, (N_EMBD, VOCAB), dtype=jnp.float32) * (1.0 / np.sqrt(N_EMBD))
    b = jnp.zeros((VOCAB,), dtype=jnp.float32)
    return {"idx": idx, "tok_table": tok_table, "pos_table": pos_table, "W": W, "b": b}

def reference(idx, tok_table, pos_table, W, b):
    # tok_emb = token_embedding_table(idx)  -> gather rows
    tok_emb = jnp.take(tok_table, idx, axis=0)            # [B, T, C]
    # pos_emb = position_embedding_table(arange(T))
    T = idx.shape[1]
    pos_emb = jnp.take(pos_table, jnp.arange(T), axis=0)  # [T, C]
    x = tok_emb + pos_emb[None, :, :]                      # broadcast add
    # logits = lm_head(x)
    logits = jnp.einsum('btc,cv->btv', x, W) + b           # [B, T, V]
    return logits

if __name__ == "__main__":
    import jax
    _d = setup_inputs()
    print(jax.jit(kernel)(*tuple(_d.values())))

</pallas_src>

<mosaic_0001>
#map = affine_map<(d0, d1) -> (0, 0)>
#map1 = affine_map<(d0, d1) -> (0, 0, 0)>
module attributes {stable_mosaic.version = 14 : i64} {
  func.func @_gather_body(%arg0: i32, %arg1: i32, %arg2: memref<1000x128xf32, #tpu.memory_space<hbm>>, %arg3: memref<50x128xf32, #tpu.memory_space<hbm>>, %arg4: memref<200x2x128xi32, #tpu.memory_space<hbm>>, %arg5: memref<156x256x128xf32, #tpu.memory_space<hbm>>, %arg6: memref<50x128xf32, #tpu.memory_space<vmem>>, %arg7: memref<2x128xi32, #tpu.memory_space<vmem>>, %arg8: memref<2x128xi32, #tpu.memory_space<vmem>>, %arg9: memref<256x128xf32, #tpu.memory_space<vmem>>, %arg10: memref<256x128xf32, #tpu.memory_space<vmem>>, %arg11: memref<!tpu.dma_semaphore, #tpu.memory_space<semaphore_mem>>) attributes {dimension_semantics = [#tpu.dimension_semantics<core_parallel>, #tpu.dimension_semantics<subcore_parallel>], iteration_bounds = array<i64: 2, 16>, scalar_prefetch = 0 : i64, scratch_operands = 6 : i64, tpu.core_type = #tpu.core_type<sc_vector_subcore>, window_params = [{transform_indices = #map}, {transform_indices = #map}, {transform_indices = #map1}, {transform_indices = #map1}]} {
    %mul3A = arith.constant 2 : i32
    %mul3A_0 = arith.muli %arg1, %mul3A : i32
    %add3A = arith.addi %mul3A_0, %arg0 : i32
    "tpu.region"() ({
      %run_scoped3A = tpu.sem_alloc : memref<!tpu.dma_semaphore, #tpu.memory_space<semaphore_mem>>
      tpu.enqueue_dma source(%arg3 : memref<50x128xf32, #tpu.memory_space<hbm>>) target(%arg6 : memref<50x128xf32, #tpu.memory_space<vmem>>) target_semaphore(%run_scoped3A : memref<!tpu.dma_semaphore, #tpu.memory_space<semaphore_mem>>)
      tpu.wait_dma2 semaphore(%run_scoped3A : memref<!tpu.dma_semaphore, #tpu.memory_space<semaphore_mem>>) src(%arg3 : memref<50x128xf32, #tpu.memory_space<hbm>>) dst(%arg6 : memref<50x128xf32, #tpu.memory_space<vmem>>)
      tpu.yield
    }) : () -> ()
    %add3A_1 = arith.constant 0 : i32
    %add3A_2 = arith.addi %add3A_1, %add3A : i32
    %add3A_3 = arith.constant 44 : i32
    %add3A_4 = arith.addi %add3A_3, %add3A_2 : i32
    "tpu.region"() ({
      %run_scoped3A = tpu.sem_alloc : memref<!tpu.dma_semaphore, #tpu.memory_space<semaphore_mem>>
      %dma_start3A_431 = arith.constant 0 : i32
      %dma_start3A_432 = arith.constant 0 : i32
      %dma_start3A_433 = tpu.memref_slice %arg4[%add3A_4, %dma_start3A_431, %dma_start3A_432] : memref<200x2x128xi32, #tpu.memory_space<hbm>> -> memref<1x2x128xi32, #tpu.memory_space<hbm>>
      %dma_start3A_434 = tpu.memref_squeeze %dma_start3A_433 : memref<1x2x128xi32, #tpu.memory_space<hbm>> -> memref<2x128xi32, #tpu.memory_space<hbm>>
      %dma_start3A_435 = arith.constant 0 : i32
      %dma_start3A_436 = arith.constant 0 : i32
      %dma_start3A_437 = tpu.memref_slice %arg4[%add3A_4, %dma_start3A_435, %dma_start3A_436] : memref<200x2x128xi32, #tpu.memory_space<hbm>> -> memref<1x2x128xi32, #tpu.memory_space<hbm>>
      %dma_start3A_438 = tpu.memref_squeeze %dma_start3A_437 : memref<1x2x128xi32, #tpu.memory_space<hbm>> -> memref<2x128xi32, #tpu.memory_space<hbm>>
      tpu.enqueue_dma source(%dma_start3A_438 : memref<2x128xi32, #tpu.memory_space<hbm>>) target(%arg7 : memref<2x128xi32, #tpu.memory_space<vmem>>) target_semaphore(%run_scoped3A : memref<!tpu.dma_semaphore, #tpu.memory_space<semaphore_mem>>)
      %dma_wait3A_439 = arith.constant 0 : i32
      %dma_wait3A_440 = arith.constant 0 : i32
      %dma_wait3A_441 = tpu.memref_slice %arg4[%add3A_4, %dma_wait3A_439, %dma_wait3A_440] : memref<200x2x128xi32, #tpu.memory_space<hbm>> -> memref<1x2x128xi32, #tpu.memory_space<hbm>>
      %dma_wait3A_442 = tpu.memref_squeeze %dma_wait3A_441 : memref<1x2x128xi32, #tpu.memory_space<hbm>> -> memref<2x128xi32, #tpu.memory_space<hbm>>
      %dma_wait3A_443 = arith.constant 0 : i32
      %dma_wait3A_444 = arith.constant 0 : i32
      %dma_wait3A_445 = tpu.memref_slice %arg4[%add3A_4, %dma_wait3A_443, %dma_wait3A_444] : memref<200x2x128xi32, #tpu.memory_space<hbm>> -> memref<1x2x128xi32, #tpu.memory_space<hbm>>
      %dma_wait3A_446 = tpu.memref_squeeze %dma_wait3A_445 : memref<1x2x128xi32, #tpu.memory_space<hbm>> -> memref<2x128xi32, #tpu.memory_space<hbm>>
      tpu.wait_dma2 semaphore(%run_scoped3A : memref<!tpu.dma_semaphore, #tpu.memory_space<semaphore_mem>>) src(%dma_wait3A_446 : memref<2x128xi32, #tpu.memory_space<hbm>>) dst(%arg7 : memref<2x128xi32, #tpu.memory_space<vmem>>)
      tpu.yield
    }) : () -> ()
    %dma_start3A = arith.constant 0 : i32
    %dma_start3A_5 = arith.constant 0 : i32
    %dma_start3A_6 = arith.constant 0 : i32
    %dma_start3A_7 = tpu.memref_slice %arg9[%dma_start3A_5, %dma_start3A_6] : memref<256x128xf32, #tpu.memory_space<vmem>> -> memref<128x128xf32, #tpu.memory_space<vmem>>
    %dma_start3A_8 = arith.constant 0 : i32
    %dma_start3A_9 = tpu.memref_slice %arg7[%dma_start3A, %dma_start3A_8] : memref<2x128xi32, #tpu.memory_space<vmem>> -> memref<1x128xi32, #tpu.memory_space<vmem>>
    %dma_start3A_10 = tpu.memref_squeeze %dma_start3A_9 : memref<1x128xi32, #tpu.memory_space<vmem>> -> memref<128xi32, #tpu.memory_space<vmem>>
    %dma_start3A_11 = arith.constant 0 : i32
    %dma_start3A_12 = arith.constant 0 : i32
    %dma_start3A_13 = tpu.memref_slice %arg2[%dma_start3A_11, %dma_start3A_12] : memref<1000x128xf32, #tpu.memory_space<hbm>> -> memref<1000x128xf32, #tpu.memory_space<hbm>>
    tpu.enqueue_indirect_dma source(%dma_start3A_13 : memref<1000x128xf32, #tpu.memory_space<hbm>>) target(%dma_start3A_7 : memref<128x128xf32, #tpu.memory_space<vmem>>) offsets(%dma_start3A_10 : memref<128xi32, #tpu.memory_space<vmem>>) semaphore(%arg11 : memref<!tpu.dma_semaphore, #tpu.memory_space<semaphore_mem>>)
    %dma_start3A_14 = arith.constant 1 : i32
    %dma_start3A_15 = arith.constant 128 : i32
    %dma_start3A_16 = arith.constant 0 : i32
    %dma_start3A_17 = tpu.memref_slice %arg9[%dma_start3A_15, %dma_start3A_16] : memref<256x128xf32, #tpu.memory_space<vmem>> -> memref<128x128xf32, #tpu.memory_space<vmem>>
    %dma_start3A_18 = arith.constant 0 : i32
    %dma_start3A_19 = tpu.memref_slice %arg7[%dma_start3A_14, %dma_start3A_18] : memref<2x128xi32, #tpu.memory_space<vmem>> -> memref<1x128xi32, #tpu.memory_space<vmem>>
    %dma_start3A_20 = tpu.memref_squeeze %dma_start3A_19 : memref<1x128xi32, #tpu.memory_space<vmem>> -> memref<128xi32, #tpu.memory_space<vmem>>
    %dma_start3A_21 = arith.constant 0 : i32
    %dma_start3A_22 = arith.constant 0 : i32
    %dma_start3A_23 = tpu.memref_slice %arg2[%dma_start3A_21, %dma_start3A_22] : memref<1000x128xf32, #tpu.memory_space<hbm>> -> memref<1000x128xf32, #tpu.memory_space<hbm>>
    tpu.enqueue_indirect_dma source(%dma_start3A_23 : memref<1000x128xf32, #tpu.memory_space<hbm>>) target(%dma_start3A_17 : memref<128x128xf32, #tpu.memory_space<vmem>>) offsets(%dma_start3A_20 : memref<128xi32, #tpu.memory_space<vmem>>) semaphore(%arg11 : memref<!tpu.dma_semaphore, #tpu.memory_space<semaphore_mem>>)
    %add3A_24 = arith.constant 32 : i32
    %add3A_25 = arith.addi %add3A_24, %add3A : i32
    %add3A_26 = arith.constant 44 : i32
    %add3A_27 = arith.addi %add3A_26, %add3A_25 : i32
    "tpu.region"() ({
      %run_scoped3A = tpu.sem_alloc : memref<!tpu.dma_semaphore, #tpu.memory_space<semaphore_mem>>
      %dma_start3A_431 = arith.constant 0 : i32
      %dma_start3A_432 = arith.constant 0 : i32
      %dma_start3A_433 = tpu.memref_slice %arg4[%add3A_27, %dma_start3A_431, %dma_start3A_432] : memref<200x2x128xi32, #tpu.memory_space<hbm>> -> memref<1x2x128xi32, #tpu.memory_space<hbm>>
      %dma_start3A_434 = tpu.memref_squeeze %dma_start3A_433 : memref<1x2x128xi32, #tpu.memory_space<hbm>> -> memref<2x128xi32, #tpu.memory_space<hbm>>
      %dma_start3A_435 = arith.constant 0 : i32
      %dma_start3A_436 = arith.constant 0 : i32
      %dma_start3A_437 = tpu.memref_slice %arg4[%add3A_27, %dma_start3A_435, %dma_start3A_436] : memref<200x2x128xi32, #tpu.memory_space<hbm>> -> memref<1x2x128xi32, #tpu.memory_space<hbm>>
      %dma_start3A_438 = tpu.memref_squeeze %dma_start3A_437 : memref<1x2x128xi32, #tpu.memory_space<hbm>> -> memref<2x128xi32, #tpu.memory_space<hbm>>
      tpu.enqueue_dma source(%dma_start3A_438 : memref<2x128xi32, #tpu.memory_space<hbm>>) target(%arg8 : memref<2x128xi32, #tpu.memory_space<vmem>>) target_semaphore(%run_scoped3A : memref<!tpu.dma_semaphore, #tpu.memory_space<semaphore_mem>>)
      %dma_wait3A_439 = arith.constant 0 : i32
      %dma_wait3A_440 = arith.constant 0 : i32
      %dma_wait3A_441 = tpu.memref_slice %arg4[%add3A_27, %dma_wait3A_439, %dma_wait3A_440] : memref<200x2x128xi32, #tpu.memory_space<hbm>> -> memref<1x2x128xi32, #tpu.memory_space<hbm>>
      %dma_wait3A_442 = tpu.memref_squeeze %dma_wait3A_441 : memref<1x2x128xi32, #tpu.memory_space<hbm>> -> memref<2x128xi32, #tpu.memory_space<hbm>>
      %dma_wait3A_443 = arith.constant 0 : i32
      %dma_wait3A_444 = arith.constant 0 : i32
      %dma_wait3A_445 = tpu.memref_slice %arg4[%add3A_27, %dma_wait3A_443, %dma_wait3A_444] : memref<200x2x128xi32, #tpu.memory_space<hbm>> -> memref<1x2x128xi32, #tpu.memory_space<hbm>>
      %dma_wait3A_446 = tpu.memref_squeeze %dma_wait3A_445 : memref<1x2x128xi32, #tpu.memory_space<hbm>> -> memref<2x128xi32, #tpu.memory_space<hbm>>
      tpu.wait_dma2 semaphore(%run_scoped3A : memref<!tpu.dma_semaphore, #tpu.memory_space<semaphore_mem>>) src(%dma_wait3A_446 : memref<2x128xi32, #tpu.memory_space<hbm>>) dst(%arg8 : memref<2x128xi32, #tpu.memory_space<vmem>>)
      tpu.yield
    }) : () -> ()
    %dma_start3A_28 = arith.constant 0 : i32
    %dma_start3A_29 = arith.constant 0 : i32
    %dma_start3A_30 = arith.constant 0 : i32
    %dma_start3A_31 = tpu.memref_slice %arg10[%dma_start3A_29, %dma_start3A_30] : memref<256x128xf32, #tpu.memory_space<vmem>> -> memref<128x128xf32, #tpu.memory_space<vmem>>
    %dma_start3A_32 = arith.constant 0 : i32
    %dma_start3A_33 = tpu.memref_slice %arg8[%dma_start3A_28, %dma_start3A_32] : memref<2x128xi32, #tpu.memory_space<vmem>> -> memref<1x128xi32, #tpu.memory_space<vmem>>
    %dma_start3A_34 = tpu.memref_squeeze %dma_start3A_33 : memref<1x128xi32, #tpu.memory_space<vmem>> -> memref<128xi32, #tpu.memory_space<vmem>>
    %dma_start3A_35 = arith.constant 0 : i32
    %dma_start3A_36 = arith.constant 0 : i32
    %dma_start3A_37 = tpu.memref_slice %arg2[%dma_start3A_35, %dma_start3A_36] : memref<1000x128xf32, #tpu.memory_space<hbm>> -> memref<1000x128xf32, #tpu.memory_space<hbm>>
    tpu.enqueue_indirect_dma source(%dma_start3A_37 : memref<1000x128xf32, #tpu.memory_space<hbm>>) target(%dma_start3A_31 : memref<128x128xf32, #tpu.memory_space<vmem>>) offsets(%dma_start3A_34 : memref<128xi32, #tpu.memory_space<vmem>>) semaphore(%arg11 : memref<!tpu.dma_semaphore, #tpu.memory_space<semaphore_mem>>)
    %dma_start3A_38 = arith.constant 1 : i32
    %dma_start3A_39 = arith.constant 128 : i32
    %dma_start3A_40 = arith.constant 0 : i32
    %dma_start3A_41 = tpu.memref_slice %arg10[%dma_start3A_39, %dma_start3A_40] : memref<256x128xf32, #tpu.memory_space<vmem>> -> memref<128x128xf32, #tpu.memory_space<vmem>>
    %dma_start3A_42 = arith.constant 0 : i32
    %dma_start3A_43 = tpu.memref_slice %arg8[%dma_start3A_38, %dma_start3A_42] : memref<2x128xi32, #tpu.memory_space<vmem>> -> memref<1x128xi32, #tpu.memory_space<vmem>>
    %dma_start3A_44 = tpu.memref_squeeze %dma_start3A_43 : memref<1x128xi32, #tpu.memory_space<vmem>> -> memref<128xi32, #tpu.memory_space<vmem>>
    %dma_start3A_45 = arith.constant 0 : i32
    %dma_start3A_46 = arith.constant 0 : i32
    %dma_start3A_47 = tpu.memref_slice %arg2[%dma_start3A_45, %dma_start3A_46] : memref<1000x128xf32, #tpu.memory_space<hbm>> -> memref<1000x128xf32, #tpu.memory_space<hbm>>
    tpu.enqueue_indirect_dma source(%dma_start3A_47 : memref<1000x128xf32, #tpu.memory_space<hbm>>) target(%dma_start3A_41 : memref<128x128xf32, #tpu.memory_space<vmem>>) offsets(%dma_start3A_44 : memref<128xi32, #tpu.memory_space<vmem>>) semaphore(%arg11 : memref<!tpu.dma_semaphore, #tpu.memory_space<semaphore_mem>>)
    %add3A_48 = arith.constant 0 : i32
    %add3A_49 = arith.addi %add3A_48, %add3A : i32
    %add3A_50 = arith.constant 44 : i32
    %add3A_51 = arith.addi %add3A_50, %add3A_49 : i32
    %jit3A = arith.constant 4 : i32
    %div3A = arith.divsi %add3A_51, %jit3A : i32
    %sign3A = arith.constant 0 : i32
    %sign3A_52 = arith.cmpi sgt, %add3A_51, %sign3A : i32
    %sign3A_53 = arith.extui %sign3A_52 : i1 to i32
    %sign3A_54 = arith.constant 0 : i32
    %sign3A_55 = arith.cmpi slt, %add3A_51, %sign3A_54 : i32
    %sign3A_56 = arith.extui %sign3A_55 : i1 to i32
    %sign3A_57 = arith.subi %sign3A_53, %sign3A_56 : i32
    %sign3A_58 = arith.constant 0 : i32
    %sign3A_59 = arith.cmpi sgt, %jit3A, %sign3A_58 : i32
    %sign3A_60 = arith.extui %sign3A_59 : i1 to i32
    %sign3A_61 = arith.constant 0 : i32
    %sign3A_62 = arith.cmpi slt, %jit3A, %sign3A_61 : i32
    %sign3A_63 = arith.extui %sign3A_62 : i1 to i32
    %sign3A_64 = arith.subi %sign3A_60, %sign3A_63 : i32
    %ne3A = arith.cmpi ne, %sign3A_57, %sign3A_64 : i32
    %rem3A = arith.remsi %add3A_51, %jit3A : i32
    %ne3A_65 = arith.constant 0 : i32
    %ne3A_66 = arith.cmpi ne, %rem3A, %ne3A_65 : i32
    %and3A = arith.andi %ne3A, %ne3A_66 : i1
    %sub3A = arith.constant 1 : i32
    %sub3A_67 = arith.subi %div3A, %sub3A : i32
    %select_n3A = arith.select %and3A, %sub3A_67, %div3A : i32
    %dma_wait3A = arith.constant 0 : i32
    %dma_wait3A_68 = arith.constant 0 : i32
    %dma_wait3A_69 = arith.constant 0 : i32
    %dma_wait3A_70 = tpu.memref_slice %arg9[%dma_wait3A_68, %dma_wait3A_69] : memref<256x128xf32, #tpu.memory_space<vmem>> -> memref<128x128xf32, #tpu.memory_space<vmem>>
    %dma_wait3A_71 = arith.constant 0 : i32
    %dma_wait3A_72 = tpu.memref_slice %arg7[%dma_wait3A, %dma_wait3A_71] : memref<2x128xi32, #tpu.memory_space<vmem>> -> memref<1x128xi32, #tpu.memory_space<vmem>>
    %dma_wait3A_73 = tpu.memref_squeeze %dma_wait3A_72 : memref<1x128xi32, #tpu.memory_space<vmem>> -> memref<128xi32, #tpu.memory_space<vmem>>
    %dma_wait3A_74 = arith.constant 0 : i32
    %dma_wait3A_75 = arith.constant 0 : i32
    %dma_wait3A_76 = tpu.memref_slice %arg2[%dma_wait3A_74, %dma_wait3A_75] : memref<1000x128xf32, #tpu.memory_space<hbm>> -> memref<1000x128xf32, #tpu.memory_space<hbm>>
    tpu.wait_indirect_dma semaphore(%arg11 : memref<!tpu.dma_semaphore, #tpu.memory_space<semaphore_mem>>) src(%dma_wait3A_76 : memref<1000x128xf32, #tpu.memory_space<hbm>>) dst(%dma_wait3A_70 : memref<128x128xf32, #tpu.memory_space<vmem>>)
    %dma_wait3A_77 = arith.constant 1 : i32
    %dma_wait3A_78 = arith.constant 128 : i32
    %dma_wait3A_79 = arith.constant 0 : i32
    %dma_wait3A_80 = tpu.memref_slice %arg9[%dma_wait3A_78, %dma_wait3A_79] : memref<256x128xf32, #tpu.memory_space<vmem>> -> memref<128x128xf32, #tpu.memory_space<vmem>>
    %dma_wait3A_81 = arith.constant 0 : i32
    %dma_wait3A_82 = tpu.memref_slice %arg7[%dma_wait3A_77, %dma_wait3A_81] : memref<2x128xi32, #tpu.memory_space<vmem>> -> memref<1x128xi32, #tpu.memory_space<vmem>>
    %dma_wait3A_83 = tpu.memref_squeeze %dma_wait3A_82 : memref<1x128xi32, #tpu.memory_space<vmem>> -> memref<128xi32, #tpu.memory_space<vmem>>
    %dma_wait3A_84 = arith.constant 0 : i32
    %dma_wait3A_85 = arith.constant 0 : i32
    %dma_wait3A_86 = tpu.memref_slice %arg2[%dma_wait3A_84, %dma_wait3A_85] : memref<1000x128xf32, #tpu.memory_space<hbm>> -> memref<1000x128xf32, #tpu.memory_space<hbm>>
    tpu.wait_indirect_dma semaphore(%arg11 : memref<!tpu.dma_semaphore, #tpu.memory_space<semaphore_mem>>) src(%dma_wait3A_86 : memref<1000x128xf32, #tpu.memory_space<hbm>>) dst(%dma_wait3A_80 : memref<128x128xf32, #tpu.memory_space<vmem>>)
    %get3A = arith.index_cast %select_n3A : i32 to index
    %get3A_87 = arith.constant 0 : index
    %get3A_88 = tpu.vector_load %arg6[%get3A, %get3A_87] {strides = array<i32>} : memref<50x128xf32, #tpu.memory_space<vmem>>, vector<1x16xf32>,
    %get3A_89 = vector.shape_cast %get3A_88 : vector<1x16xf32> to vector<16xf32>
    %get3A_90 = arith.index_cast %select_n3A : i32 to index
    %get3A_91 = arith.constant 16 : index
    %get3A_92 = tpu.vector_load %arg6[%get3A_90, %get3A_91] {strides = array<i32>} : memref<50x128xf32, #tpu.memory_space<vmem>>, vector<1x16xf32>,
    %get3A_93 = vector.shape_cast %get3A_92 : vector<1x16xf32> to vector<16xf32>
    %get3A_94 = arith.index_cast %select_n3A : i32 to index
    %get3A_95 = arith.constant 32 : index
    %get3A_96 = tpu.vector_load %arg6[%get3A_94, %get3A_95] {strides = array<i32>} : memref<50x128xf32, #tpu.memory_space<vmem>>, vector<1x16xf32>,
    %get3A_97 = vector.shape_cast %get3A_96 : vector<1x16xf32> to vector<16xf32>
    %get3A_98 = arith.index_cast %select_n3A : i32 to index
    %get3A_99 = arith.constant 48 : index
    %get3A_100 = tpu.vector_load %arg6[%get3A_98, %get3A_99] {strides = array<i32>} : memref<50x128xf32, #tpu.memory_space<vmem>>, vector<1x16xf32>,
    %get3A_101 = vector.shape_cast %get3A_100 : vector<1x16xf32> to vector<16xf32>
    %get3A_102 = arith.index_cast %select_n3A : i32 to index
    %get3A_103 = arith.constant 64 : index
    %get3A_104 = tpu.vector_load %arg6[%get3A_102, %get3A_103] {strides = array<i32>} : memref<50x128xf32, #tpu.memory_space<vmem>>, vector<1x16xf32>,
    %get3A_105 = vector.shape_cast %get3A_104 : vector<1x16xf32> to vector<16xf32>
    %get3A_106 = arith.index_cast %select_n3A : i32 to index
    %get3A_107 = arith.constant 80 : index
    %get3A_108 = tpu.vector_load %arg6[%get3A_106, %get3A_107] {strides = array<i32>} : memref<50x128xf32, #tpu.memory_space<vmem>>, vector<1x16xf32>,
    %get3A_109 = vector.shape_cast %get3A_108 : vector<1x16xf32> to vector<16xf32>
    %get3A_110 = arith.index_cast %select_n3A : i32 to index
    %get3A_111 = arith.constant 96 : index
    %get3A_112 = tpu.vector_load %arg6[%get3A_110, %get3A_111] {strides = array<i32>} : memref<50x128xf32, #tpu.memory_space<vmem>>, vector<1x16xf32>,
    %get3A_113 = vector.shape_cast %get3A_112 : vector<1x16xf32> to vector<16xf32>
    %get3A_114 = arith.index_cast %select_n3A : i32 to index
    %get3A_115 = arith.constant 112 : index
    %get3A_116 = tpu.vector_load %arg6[%get3A_114, %get3A_115] {strides = array<i32>} : memref<50x128xf32, #tpu.memory_space<vmem>>, vector<1x16xf32>,
    %get3A_117 = vector.shape_cast %get3A_116 : vector<1x16xf32> to vector<16xf32>
    %scan3A = arith.constant 0 : i32
    %scan3A_118 = arith.constant 0 : i32
    %scan3A_119 = arith.constant 256 : i32
    %scan3A_120 = arith.addi %scan3A_118, %scan3A_119 : i32
    %scan3A_121 = arith.constant 1 : i32
    scf.for %scan3A_431 = %scan3A_118 to %scan3A_120 step %scan3A_121  : i32 {
      %get3A_432 = arith.index_cast %scan3A_431 : i32 to index
      %get3A_433 = arith.constant 0 : index
      %get3A_434 = tpu.vector_load %arg9[%get3A_432, %get3A_433] {strides = array<i32>} : memref<256x128xf32, #tpu.memory_space<vmem>>, vector<1x16xf32>,
      %get3A_435 = vector.shape_cast %get3A_434 : vector<1x16xf32> to vector<16xf32>
      %add3A_436 = arith.addf %get3A_435, %get3A_89 : vector<16xf32>
      %swap3A = arith.index_cast %scan3A_431 : i32 to index
      %swap3A_437 = arith.constant 0 : index
      %swap3A_438 = tpu.vector_load %arg9[%swap3A, %swap3A_437] {strides = array<i32>} : memref<256x128xf32, #tpu.memory_space<vmem>>, vector<1x16xf32>,
      %swap3A_439 = vector.shape_cast %swap3A_438 : vector<1x16xf32> to vector<16xf32>
      %swap3A_440 = vector.shape_cast %add3A_436 : vector<16xf32> to vector<1x16xf32>
      tpu.vector_store %arg9[%swap3A, %swap3A_437], %swap3A_440 {strides = array<i32>} : memref<256x128xf32, #tpu.memory_space<vmem>>, vector<1x16xf32>,
      %get3A_441 = arith.index_cast %scan3A_431 : i32 to index
      %get3A_442 = arith.constant 16 : index
      %get3A_443 = tpu.vector_load %arg9[%get3A_441, %get3A_442] {strides = array<i32>} : memref<256x128xf32, #tpu.memory_space<vmem>>, vector<1x16xf32>,
      %get3A_444 = vector.shape_cast %get3A_443 : vector<1x16xf32> to vector<16xf32>
      %add3A_445 = arith.addf %get3A_444, %get3A_93 : vector<16xf32>
      %swap3A_446 = arith.index_cast %scan3A_431 : i32 to index
      %swap3A_447 = arith.constant 16 : index
      %swap3A_448 = tpu.vector_load %arg9[%swap3A_446, %swap3A_447] {strides = array<i32>} : memref<256x128xf32, #tpu.memory_space<vmem>>, vector<1x16xf32>,
      %swap3A_449 = vector.shape_cast %swap3A_448 : vector<1x16xf32> to vector<16xf32>
      %swap3A_450 = vector.shape_cast %add3A_445 : vector<16xf32> to vector<1x16xf32>
      tpu.vector_store %arg9[%swap3A_446, %swap3A_447], %swap3A_450 {strides = array<i32>} : memref<256x128xf32, #tpu.memory_space<vmem>>, vector<1x16xf32>,
      %get3A_451 = arith.index_cast %scan3A_431 : i32 to index
      %get3A_452 = arith.constant 32 : index
      %get3A_453 = tpu.vector_load %arg9[%get3A_451, %get3A_452] {strides = array<i32>} : memref<256x128xf32, #tpu.memory_space<vmem>>, vector<1x16xf32>,
      %get3A_454 = vector.shape_cast %get3A_453 : vector<1x16xf32> to vector<16xf32>
      %add3A_455 = arith.addf %get3A_454, %get3A_97 : vector<16xf32>
      %swap3A_456 = arith.index_cast %scan3A_431 : i32 to index
      %swap3A_457 = arith.constant 32 : index
      %swap3A_458 = tpu.vector_load %arg9[%swap3A_456, %swap3A_457] {strides = array<i32>} : memref<256x128xf32, #tpu.memory_space<vmem>>, vector<1x16xf32>,
      %swap3A_459 = vector.shape_cast %swap3A_458 : vector<1x16xf32> to vector<16xf32>
      %swap3A_460 = vector.shape_cast %add3A_455 : vector<16xf32> to vector<1x16xf32>
      tpu.vector_store %arg9[%swap3A_456, %swap3A_457], %swap3A_460 {strides = array<i32>} : memref<256x128xf32, #tpu.memory_space<vmem>>, vector<1x16xf32>,
      %get3A_461 = arith.index_cast %scan3A_431 : i32 to index
      %get3A_462 = arith.constant 48 : index
      %get3A_463 = tpu.vector_load %arg9[%get3A_461, %get3A_462] {strides = array<i32>} : memref<256x128xf32, #tpu.memory_space<vmem>>, vector<1x16xf32>,
      %get3A_464 = vector.shape_cast %get3A_463 : vector<1x16xf32> to vector<16xf32>
      %add3A_465 = arith.addf %get3A_464, %get3A_101 : vector<16xf32>
      %swap3A_466 = arith.index_cast %scan3A_431 : i32 to index
      %swap3A_467 = arith.constant 48 : index
      %swap3A_468 = tpu.vector_load %arg9[%swap3A_466, %swap3A_467] {strides = array<i32>} : memref<256x128xf32, #tpu.memory_space<vmem>>, vector<1x16xf32>,
      %swap3A_469 = vector.shape_cast %swap3A_468 : vector<1x16xf32> to vector<16xf32>
      %swap3A_470 = vector.shape_cast %add3A_465 : vector<16xf32> to vector<1x16xf32>
      tpu.vector_store %arg9[%swap3A_466, %swap3A_467], %swap3A_470 {strides = array<i32>} : memref<256x128xf32, #tpu.memory_space<vmem>>, vector<1x16xf32>,
      %get3A_471 = arith.index_cast %scan3A_431 : i32 to index
      %get3A_472 = arith.constant 64 : index
      %get3A_473 = tpu.vector_load %arg9[%get3A_471, %get3A_472] {strides = array<i32>} : memref<256x128xf32, #tpu.memory_space<vmem>>, vector<1x16xf32>,
      %get3A_474 = vector.shape_cast %get3A_473 : vector<1x16xf32> to vector<16xf32>
      %add3A_475 = arith.addf %get3A_474, %get3A_105 : vector<16xf32>
      %swap3A_476 = arith.index_cast %scan3A_431 : i32 to index
      %swap3A_477 = arith.constant 64 : index
      %swap3A_478 = tpu.vector_load %arg9[%swap3A_476, %swap3A_477] {strides = array<i32>} : memref<256x128xf32, #tpu.memory_space<vmem>>, vector<1x16xf32>,
      %swap3A_479 = vector.shape_cast %swap3A_478 : vector<1x16xf32> to vector<16xf32>
      %swap3A_480 = vector.shape_cast %add3A_475 : vector<16xf32> to vector<1x16xf32>
      tpu.vector_store %arg9[%swap3A_476, %swap3A_477], %swap3A_480 {strides = array<i32>} : memref<256x128xf32, #tpu.memory_space<vmem>>, vector<1x16xf32>,
      %get3A_481 = arith.index_cast %scan3A_431 : i32 to index
      %get3A_482 = arith.constant 80 : index
      %get3A_483 = tpu.vector_load %arg9[%get3A_481, %get3A_482] {strides = array<i32>} : memref<256x128xf32, #tpu.memory_space<vmem>>, vector<1x16xf32>,
      %get3A_484 = vector.shape_cast %get3A_483 : vector<1x16xf32> to vector<16xf32>
      %add3A_485 = arith.addf %get3A_484, %get3A_109 : vector<16xf32>
      %swap3A_486 = arith.index_cast %scan3A_431 : i32 to index
      %swap3A_487 = arith.constant 80 : index
      %swap3A_488 = tpu.vector_load %arg9[%swap3A_486, %swap3A_487] {strides = array<i32>} : memref<256x128xf32, #tpu.memory_space<vmem>>, vector<1x16xf32>,
      %swap3A_489 = vector.shape_cast %swap3A_488 : vector<1x16xf32> to vector<16xf32>
      %swap3A_490 = vector.shape_cast %add3A_485 : vector<16xf32> to vector<1x16xf32>
      tpu.vector_store %arg9[%swap3A_486, %swap3A_487], %swap3A_490 {strides = array<i32>} : memref<256x128xf32, #tpu.memory_space<vmem>>, vector<1x16xf32>,
      %get3A_491 = arith.index_cast %scan3A_431 : i32 to index
      %get3A_492 = arith.constant 96 : index
      %get3A_493 = tpu.vector_load %arg9[%get3A_491, %get3A_492] {strides = array<i32>} : memref<256x128xf32, #tpu.memory_space<vmem>>, vector<1x16xf32>,
      %get3A_494 = vector.shape_cast %get3A_493 : vector<1x16xf32> to vector<16xf32>
      %add3A_495 = arith.addf %get3A_494, %get3A_113 : vector<16xf32>
      %swap3A_496 = arith.index_cast %scan3A_431 : i32 to index
      %swap3A_497 = arith.constant 96 : index
      %swap3A_498 = tpu.vector_load %arg9[%swap3A_496, %swap3A_497] {strides = array<i32>} : memref<256x128xf32, #tpu.memory_space<vmem>>, vector<1x16xf32>,
      %swap3A_499 = vector.shape_cast %swap3A_498 : vector<1x16xf32> to vector<16xf32>
      %swap3A_500 = vector.shape_cast %add3A_495 : vector<16xf32> to vector<1x16xf32>
      tpu.vector_store %arg9[%swap3A_496, %swap3A_497], %swap3A_500 {strides = array<i32>} : memref<256x128xf32, #tpu.memory_space<vmem>>, vector<1x16xf32>,
      %get3A_501 = arith.index_cast %scan3A_431 : i32 to index
      %get3A_502 = arith.constant 112 : index
      %get3A_503 = tpu.vector_load %arg9[%get3A_501, %get3A_502] {strides = array<i32>} : memref<256x128xf32, #tpu.memory_space<vmem>>, vector<1x16xf32>,
      %get3A_504 = vector.shape_cast %get3A_503 : vector<1x16xf32> to vector<16xf32>
      %add3A_505 = arith.addf %get3A_504, %get3A_117 : vector<16xf32>
      %swap3A_506 = arith.index_cast %scan3A_431 : i32 to index
      %swap3A_507 = arith.constant 112 : index
      %swap3A_508 = tpu.vector_load %arg9[%swap3A_506, %swap3A_507] {strides = array<i32>} : memref<256x128xf32, #tpu.memory_space<vmem>>, vector<1x16xf32>,
      %swap3A_509 = vector.shape_cast %swap3A_508 : vector<1x16xf32> to vector<16xf32>
      %swap3A_510 = vector.shape_cast %add3A_505 : vector<16xf32> to vector<1x16xf32>
      tpu.vector_store %arg9[%swap3A_506, %swap3A_507], %swap3A_510 {strides = array<i32>} : memref<256x128xf32, #tpu.memory_space<vmem>>, vector<1x16xf32>,
    }
    %scan3A_122 = arith.constant 256 : i32
    "tpu.region"() ({
      %run_scoped3A = tpu.sem_alloc : memref<!tpu.dma_semaphore, #tpu.memory_space<semaphore_mem>>
      %dma_start3A_431 = arith.constant 0 : i32
      %dma_start3A_432 = arith.constant 0 : i32
      %dma_start3A_433 = tpu.memref_slice %arg5[%add3A_49, %dma_start3A_431, %dma_start3A_432] : memref<156x256x128xf32, #tpu.memory_space<hbm>> -> memref<1x256x128xf32, #tpu.memory_space<hbm>>
      %dma_start3A_434 = tpu.memref_squeeze %dma_start3A_433 : memref<1x256x128xf32, #tpu.memory_space<hbm>> -> memref<256x128xf32, #tpu.memory_space<hbm>>
      %dma_start3A_435 = arith.constant 0 : i32
      %dma_start3A_436 = arith.constant 0 : i32
      %dma_start3A_437 = tpu.memref_slice %arg5[%add3A_49, %dma_start3A_435, %dma_start3A_436] : memref<156x256x128xf32, #tpu.memory_space<hbm>> -> memref<1x256x128xf32, #tpu.memory_space<hbm>>
      %dma_start3A_438 = tpu.memref_squeeze %dma_start3A_437 : memref<1x256x128xf32, #tpu.memory_space<hbm>> -> memref<256x128xf32, #tpu.memory_space<hbm>>
      tpu.enqueue_dma source(%arg9 : memref<256x128xf32, #tpu.memory_space<vmem>>) target(%dma_start3A_438 : memref<256x128xf32, #tpu.memory_space<hbm>>) target_semaphore(%run_scoped3A : memref<!tpu.dma_semaphore, #tpu.memory_space<semaphore_mem>>)
      %dma_wait3A_439 = arith.constant 0 : i32
      %dma_wait3A_440 = arith.constant 0 : i32
      %dma_wait3A_441 = tpu.memref_slice %arg5[%add3A_49, %dma_wait3A_439, %dma_wait3A_440] : memref<156x256x128xf32, #tpu.memory_space<hbm>> -> memref<1x256x128xf32, #tpu.memory_space<hbm>>
      %dma_wait3A_442 = tpu.memref_squeeze %dma_wait3A_441 : memref<1x256x128xf32, #tpu.memory_space<hbm>> -> memref<256x128xf32, #tpu.memory_space<hbm>>
      %dma_wait3A_443 = arith.constant 0 : i32
      %dma_wait3A_444 = arith.constant 0 : i32
      %dma_wait3A_445 = tpu.memref_slice %arg5[%add3A_49, %dma_wait3A_443, %dma_wait3A_444] : memref<156x256x128xf32, #tpu.memory_space<hbm>> -> memref<1x256x128xf32, #tpu.memory_space<hbm>>
      %dma_wait3A_446 = tpu.memref_squeeze %dma_wait3A_445 : memref<1x256x128xf32, #tpu.memory_space<hbm>> -> memref<256x128xf32, #tpu.memory_space<hbm>>
      tpu.wait_dma2 semaphore(%run_scoped3A : memref<!tpu.dma_semaphore, #tpu.memory_space<semaphore_mem>>) src(%arg9 : memref<256x128xf32, #tpu.memory_space<vmem>>) dst(%dma_wait3A_446 : memref<256x128xf32, #tpu.memory_space<hbm>>)
      tpu.yield
    }) : () -> ()
    %add3A_123 = arith.constant 64 : i32
    %add3A_124 = arith.addi %add3A_123, %add3A : i32
    %add3A_125 = arith.constant 44 : i32
    %add3A_126 = arith.addi %add3A_125, %add3A_124 : i32
    "tpu.region"() ({
      %run_scoped3A = tpu.sem_alloc : memref<!tpu.dma_semaphore, #tpu.memory_space<semaphore_mem>>
      %dma_start3A_431 = arith.constant 0 : i32
      %dma_start3A_432 = arith.constant 0 : i32
      %dma_start3A_433 = tpu.memref_slice %arg4[%add3A_126, %dma_start3A_431, %dma_start3A_432] : memref<200x2x128xi32, #tpu.memory_space<hbm>> -> memref<1x2x128xi32, #tpu.memory_space<hbm>>
      %dma_start3A_434 = tpu.memref_squeeze %dma_start3A_433 : memref<1x2x128xi32, #tpu.memory_space<hbm>> -> memref<2x128xi32, #tpu.memory_space<hbm>>
      %dma_start3A_435 = arith.constant 0 : i32
      %dma_start3A_436 = arith.constant 0 : i32
      %dma_start3A_437 = tpu.memref_slice %arg4[%add3A_126, %dma_start3A_435, %dma_start3A_436] : memref<200x2x128xi32, #tpu.memory_space<hbm>> -> memref<1x2x128xi32, #tpu.memory_space<hbm>>
      %dma_start3A_438 = tpu.memref_squeeze %dma_start3A_437 : memref<1x2x128xi32, #tpu.memory_space<hbm>> -> memref<2x128xi32, #tpu.memory_space<hbm>>
      tpu.enqueue_dma source(%dma_start3A_438 : memref<2x128xi32, #tpu.memory_space<hbm>>) target(%arg7 : memref<2x128xi32, #tpu.memory_space<vmem>>) target_semaphore(%run_scoped3A : memref<!tpu.dma_semaphore, #tpu.memory_space<semaphore_mem>>)
      %dma_wait3A_439 = arith.constant 0 : i32
      %dma_wait3A_440 = arith.constant 0 : i32
      %dma_wait3A_441 = tpu.memref_slice %arg4[%add3A_126, %dma_wait3A_439, %dma_wait3A_440] : memref<200x2x128xi32, #tpu.memory_space<hbm>> -> memref<1x2x128xi32, #tpu.memory_space<hbm>>
      %dma_wait3A_442 = tpu.memref_squeeze %dma_wait3A_441 : memref<1x2x128xi32, #tpu.memory_space<hbm>> -> memref<2x128xi32, #tpu.memory_space<hbm>>
      %dma_wait3A_443 = arith.constant 0 : i32
      %dma_wait3A_444 = arith.constant 0 : i32
      %dma_wait3A_445 = tpu.memref_slice %arg4[%add3A_126, %dma_wait3A_443, %dma_wait3A_444] : memref<200x2x128xi32, #tpu.memory_space<hbm>> -> memref<1x2x128xi32, #tpu.memory_space<hbm>>
      %dma_wait3A_446 = tpu.memref_squeeze %dma_wait3A_445 : memref<1x2x128xi32, #tpu.memory_space<hbm>> -> memref<2x128xi32, #tpu.memory_space<hbm>>
      tpu.wait_dma2 semaphore(%run_scoped3A : memref<!tpu.dma_semaphore, #tpu.memory_space<semaphore_mem>>) src(%dma_wait3A_446 : memref<2x128xi32, #tpu.memory_space<hbm>>) dst(%arg7 : memref<2x128xi32, #tpu.memory_space<vmem>>)
      tpu.yield
    }) : () -> ()
    %dma_start3A_127 = arith.constant 0 : i32
    %dma_start3A_128 = arith.constant 0 : i32
    %dma_start3A_129 = arith.constant 0 : i32
    %dma_start3A_130 = tpu.memref_slice %arg9[%dma_start3A_128, %dma_start3A_129] : memref<256x128xf32, #tpu.memory_space<vmem>> -> memref<128x128xf32, #tpu.memory_space<vmem>>
    %dma_start3A_131 = arith.constant 0 : i32
    %dma_start3A_132 = tpu.memref_slice %arg7[%dma_start3A_127, %dma_start3A_131] : memref<2x128xi32, #tpu.memory_space<vmem>> -> memref<1x128xi32, #tpu.memory_space<vmem>>
    %dma_start3A_133 = tpu.memref_squeeze %dma_start3A_132 : memref<1x128xi32, #tpu.memory_space<vmem>> -> memref<128xi32, #tpu.memory_space<vmem>>
    %dma_start3A_134 = arith.constant 0 : i32
    %dma_start3A_135 = arith.constant 0 : i32
    %dma_start3A_136 = tpu.memref_slice %arg2[%dma_start3A_134, %dma_start3A_135] : memref<1000x128xf32, #tpu.memory_space<hbm>> -> memref<1000x128xf32, #tpu.memory_space<hbm>>
    tpu.enqueue_indirect_dma source(%dma_start3A_136 : memref<1000x128xf32, #tpu.memory_space<hbm>>) target(%dma_start3A_130 : memref<128x128xf32, #tpu.memory_space<vmem>>) offsets(%dma_start3A_133 : memref<128xi32, #tpu.memory_space<vmem>>) semaphore(%arg11 : memref<!tpu.dma_semaphore, #tpu.memory_space<semaphore_mem>>)
    %dma_start3A_137 = arith.constant 1 : i32
    %dma_start3A_138 = arith.constant 128 : i32
    %dma_start3A_139 = arith.constant 0 : i32
    %dma_start3A_140 = tpu.memref_slice %arg9[%dma_start3A_138, %dma_start3A_139] : memref<256x128xf32, #tpu.memory_space<vmem>> -> memref<128x128xf32, #tpu.memory_space<vmem>>
    %dma_start3A_141 = arith.constant 0 : i32
    %dma_start3A_142 = tpu.memref_slice %arg7[%dma_start3A_137, %dma_start3A_141] : memref<2x128xi32, #tpu.memory_space<vmem>> -> memref<1x128xi32, #tpu.memory_space<vmem>>
    %dma_start3A_143 = tpu.memref_squeeze %dma_start3A_142 : memref<1x128xi32, #tpu.memory_space<vmem>> -> memref<128xi32, #tpu.memory_space<vmem>>
    %dma_start3A_144 = arith.constant 0 : i32
    %dma_start3A_145 = arith.constant 0 : i32
    %dma_start3A_146 = tpu.memref_slice %arg2[%dma_start3A_144, %dma_start3A_145] : memref<1000x128xf32, #tpu.memory_space<hbm>> -> memref<1000x128xf32, #tpu.memory_space<hbm>>
    tpu.enqueue_indirect_dma source(%dma_start3A_146 : memref<1000x128xf32, #tpu.memory_space<hbm>>) target(%dma_start3A_140 : memref<128x128xf32, #tpu.memory_space<vmem>>) offsets(%dma_start3A_143 : memref<128xi32, #tpu.memory_space<vmem>>) semaphore(%arg11 : memref<!tpu.dma_semaphore, #tpu.memory_space<semaphore_mem>>)
    %add3A_147 = arith.constant 32 : i32
    %add3A_148 = arith.addi %add3A_147, %add3A : i32
    %add3A_149 = arith.constant 44 : i32
    %add3A_150 = arith.addi %add3A_149, %add3A_148 : i32
    %jit3A_151 = arith.constant 4 : i32
    %div3A_152 = arith.divsi %add3A_150, %jit3A_151 : i32
    %sign3A_153 = arith.constant 0 : i32
    %sign3A_154 = arith.cmpi sgt, %add3A_150, %sign3A_153 : i32
    %sign3A_155 = arith.extui %sign3A_154 : i1 to i32
    %sign3A_156 = arith.constant 0 : i32
    %sign3A_157 = arith.cmpi slt, %add3A_150, %sign3A_156 : i32
    %sign3A_158 = arith.extui %sign3A_157 : i1 to i32
    %sign3A_159 = arith.subi %sign3A_155, %sign3A_158 : i32
    %sign3A_160 = arith.constant 0 : i32
    %sign3A_161 = arith.cmpi sgt, %jit3A_151, %sign3A_160 : i32
    %sign3A_162 = arith.extui %sign3A_161 : i1 to i32
    %sign3A_163 = arith.constant 0 : i32
    %sign3A_164 = arith.cmpi slt, %jit3A_151, %sign3A_163 : i32
    %sign3A_165 = arith.extui %sign3A_164 : i1 to i32
    %sign3A_166 = arith.subi %sign3A_162, %sign3A_165 : i32
    %ne3A_167 = arith.cmpi ne, %sign3A_159, %sign3A_166 : i32
    %rem3A_168 = arith.remsi %add3A_150, %jit3A_151 : i32
    %ne3A_169 = arith.constant 0 : i32
    %ne3A_170 = arith.cmpi ne, %rem3A_168, %ne3A_169 : i32
    %and3A_171 = arith.andi %ne3A_167, %ne3A_170 : i1
    %sub3A_172 = arith.constant 1 : i32
    %sub3A_173 = arith.subi %div3A_152, %sub3A_172 : i32
    %select_n3A_174 = arith.select %and3A_171, %sub3A_173, %div3A_152 : i32
    %dma_wait3A_175 = arith.constant 0 : i32
    %dma_wait3A_176 = arith.constant 0 : i32
    %dma_wait3A_177 = arith.constant 0 : i32
    %dma_wait3A_178 = tpu.memref_slice %arg10[%dma_wait3A_176, %dma_wait3A_177] : memref<256x128xf32, #tpu.memory_space<vmem>> -> memref<128x128xf32, #tpu.memory_space<vmem>>
    %dma_wait3A_179 = arith.constant 0 : i32
    %dma_wait3A_180 = tpu.memref_slice %arg8[%dma_wait3A_175, %dma_wait3A_179] : memref<2x128xi32, #tpu.memory_space<vmem>> -> memref<1x128xi32, #tpu.memory_space<vmem>>
    %dma_wait3A_181 = tpu.memref_squeeze %dma_wait3A_180 : memref<1x128xi32, #tpu.memory_space<vmem>> -> memref<128xi32, #tpu.memory_space<vmem>>
    %dma_wait3A_182 = arith.constant 0 : i32
    %dma_wait3A_183 = arith.constant 0 : i32
    %dma_wait3A_184 = tpu.memref_slice %arg2[%dma_wait3A_182, %dma_wait3A_183] : memref<1000x128xf32, #tpu.memory_space<hbm>> -> memref<1000x128xf32, #tpu.memory_space<hbm>>
    tpu.wait_indirect_dma semaphore(%arg11 : memref<!tpu.dma_semaphore, #tpu.memory_space<semaphore_mem>>) src(%dma_wait3A_184 : memref<1000x128xf32, #tpu.memory_space<hbm>>) dst(%dma_wait3A_178 : memref<128x128xf32, #tpu.memory_space<vmem>>)
    %dma_wait3A_185 = arith.constant 1 : i32
    %dma_wait3A_186 = arith.constant 128 : i32
    %dma_wait3A_187 = arith.constant 0 : i32
    %dma_wait3A_188 = tpu.memref_slice %arg10[%dma_wait3A_186, %dma_wait3A_187] : memref<256x128xf32, #tpu.memory_space<vmem>> -> memref<128x128xf32, #tpu.memory_space<vmem>>
    %dma_wait3A_189 = arith.constant 0 : i32
    %dma_wait3A_190 = tpu.memref_slice %arg8[%dma_wait3A_185, %dma_wait3A_189] : memref<2x128xi32, #tpu.memory_space<vmem>> -> memref<1x128xi32, #tpu.memory_space<vmem>>
    %dma_wait3A_191 = tpu.memref_squeeze %dma_wait3A_190 : memref<1x128xi32, #tpu.memory_space<vmem>> -> memref<128xi32, #tpu.memory_space<vmem>>
    %dma_wait3A_192 = arith.constant 0 : i32
    %dma_wait3A_193 = arith.constant 0 : i32
    %dma_wait3A_194 = tpu.memref_slice %arg2[%dma_wait3A_192, %dma_wait3A_193] : memref<1000x128xf32, #tpu.memory_space<hbm>> -> memref<1000x128xf32, #tpu.memory_space<hbm>>
    tpu.wait_indirect_dma semaphore(%arg11 : memref<!tpu.dma_semaphore, #tpu.memory_space<semaphore_mem>>) src(%dma_wait3A_194 : memref<1000x128xf32, #tpu.memory_space<hbm>>) dst(%dma_wait3A_188 : memref<128x128xf32, #tpu.memory_space<vmem>>)
    %get3A_195 = arith.index_cast %select_n3A_174 : i32 to index
    %get3A_196 = arith.constant 0 : index
    %get3A_197 = tpu.vector_load %arg6[%get3A_195, %get3A_196] {strides = array<i32>} : memref<50x128xf32, #tpu.memory_space<vmem>>, vector<1x16xf32>,
    %get3A_198 = vector.shape_cast %get3A_197 : vector<1x16xf32> to vector<16xf32>
    %get3A_199 = arith.index_cast %select_n3A_174 : i32 to index
    %get3A_200 = arith.constant 16 : index
    %get3A_201 = tpu.vector_load %arg6[%get3A_199, %get3A_200] {strides = array<i32>} : memref<50x128xf32, #tpu.memory_space<vmem>>, vector<1x16xf32>,
    %get3A_202 = vector.shape_cast %get3A_201 : vector<1x16xf32> to vector<16xf32>
    %get3A_203 = arith.index_cast %select_n3A_174 : i32 to index
    %get3A_204 = arith.constant 32 : index
    %get3A_205 = tpu.vector_load %arg6[%get3A_203, %get3A_204] {strides = array<i32>} : memref<50x128xf32, #tpu.memory_space<vmem>>, vector<1x16xf32>,
    %get3A_206 = vector.shape_cast %get3A_205 : vector<1x16xf32> to vector<16xf32>
    %get3A_207 = arith.index_cast %select_n3A_174 : i32 to index
    %get3A_208 = arith.constant 48 : index
    %get3A_209 = tpu.vector_load %arg6[%get3A_207, %get3A_208] {strides = array<i32>} : memref<50x128xf32, #tpu.memory_space<vmem>>, vector<1x16xf32>,
    %get3A_210 = vector.shape_cast %get3A_209 : vector<1x16xf32> to vector<16xf32>
    %get3A_211 = arith.index_cast %select_n3A_174 : i32 to index
    %get3A_212 = arith.constant 64 : index
    %get3A_213 = tpu.vector_load %arg6[%get3A_211, %get3A_212] {strides = array<i32>} : memref<50x128xf32, #tpu.memory_space<vmem>>, vector<1x16xf32>,
    %get3A_214 = vector.shape_cast %get3A_213 : vector<1x16xf32> to vector<16xf32>
    %get3A_215 = arith.index_cast %select_n3A_174 : i32 to index
    %get3A_216 = arith.constant 80 : index
    %get3A_217 = tpu.vector_load %arg6[%get3A_215, %get3A_216] {strides = array<i32>} : memref<50x128xf32, #tpu.memory_space<vmem>>, vector<1x16xf32>,
    %get3A_218 = vector.shape_cast %get3A_217 : vector<1x16xf32> to vector<16xf32>
    %get3A_219 = arith.index_cast %select_n3A_174 : i32 to index
    %get3A_220 = arith.constant 96 : index
    %get3A_221 = tpu.vector_load %arg6[%get3A_219, %get3A_220] {strides = array<i32>} : memref<50x128xf32, #tpu.memory_space<vmem>>, vector<1x16xf32>,
    %get3A_222 = vector.shape_cast %get3A_221 : vector<1x16xf32> to vector<16xf32>
    %get3A_223 = arith.index_cast %select_n3A_174 : i32 to index
    %get3A_224 = arith.constant 112 : index
    %get3A_225 = tpu.vector_load %arg6[%get3A_223, %get3A_224] {strides = array<i32>} : memref<50x128xf32, #tpu.memory_space<vmem>>, vector<1x16xf32>,
    %get3A_226 = vector.shape_cast %get3A_225 : vector<1x16xf32> to vector<16xf32>
    %scan3A_227 = arith.constant 0 : i32
    %scan3A_228 = arith.constant 0 : i32
    %scan3A_229 = arith.constant 256 : i32
    %scan3A_230 = arith.addi %scan3A_228, %scan3A_229 : i32
    %scan3A_231 = arith.constant 1 : i32
    scf.for %scan3A_431 = %scan3A_228 to %scan3A_230 step %scan3A_231  : i32 {
      %get3A_432 = arith.index_cast %scan3A_431 : i32 to index
      %get3A_433 = arith.constant 0 : index
      %get3A_434 = tpu.vector_load %arg10[%get3A_432, %get3A_433] {strides = array<i32>} : memref<256x128xf32, #tpu.memory_space<vmem>>, vector<1x16xf32>,
      %get3A_435 = vector.shape_cast %get3A_434 : vector<1x16xf32> to vector<16xf32>
      %add3A_436 = arith.addf %get3A_435, %get3A_198 : vector<16xf32>
      %swap3A = arith.index_cast %scan3A_431 : i32 to index
      %swap3A_437 = arith.constant 0 : index
      %swap3A_438 = tpu.vector_load %arg10[%swap3A, %swap3A_437] {strides = array<i32>} : memref<256x128xf32, #tpu.memory_space<vmem>>, vector<1x16xf32>,
      %swap3A_439 = vector.shape_cast %swap3A_438 : vector<1x16xf32> to vector<16xf32>
      %swap3A_440 = vector.shape_cast %add3A_436 : vector<16xf32> to vector<1x16xf32>
      tpu.vector_store %arg10[%swap3A, %swap3A_437], %swap3A_440 {strides = array<i32>} : memref<256x128xf32, #tpu.memory_space<vmem>>, vector<1x16xf32>,
      %get3A_441 = arith.index_cast %scan3A_431 : i32 to index
      %get3A_442 = arith.constant 16 : index
      %get3A_443 = tpu.vector_load %arg10[%get3A_441, %get3A_442] {strides = array<i32>} : memref<256x128xf32, #tpu.memory_space<vmem>>, vector<1x16xf32>,
      %get3A_444 = vector.shape_cast %get3A_443 : vector<1x16xf32> to vector<16xf32>
      %add3A_445 = arith.addf %get3A_444, %get3A_202 : vector<16xf32>
      %swap3A_446 = arith.index_cast %scan3A_431 : i32 to index
      %swap3A_447 = arith.constant 16 : index
      %swap3A_448 = tpu.vector_load %arg10[%swap3A_446, %swap3A_447] {strides = array<i32>} : memref<256x128xf32, #tpu.memory_space<vmem>>, vector<1x16xf32>,
      %swap3A_449 = vector.shape_cast %swap3A_448 : vector<1x16xf32> to vector<16xf32>
      %swap3A_450 = vector.shape_cast %add3A_445 : vector<16xf32> to vector<1x16xf32>
      tpu.vector_store %arg10[%swap3A_446, %swap3A_447], %swap3A_450 {strides = array<i32>} : memref<256x128xf32, #tpu.memory_space<vmem>>, vector<1x16xf32>,
      %get3A_451 = arith.index_cast %scan3A_431 : i32 to index
      %get3A_452 = arith.constant 32 : index
      %get3A_453 = tpu.vector_load %arg10[%get3A_451, %get3A_452] {strides = array<i32>} : memref<256x128xf32, #tpu.memory_space<vmem>>, vector<1x16xf32>,
      %get3A_454 = vector.shape_cast %get3A_453 : vector<1x16xf32> to vector<16xf32>
      %add3A_455 = arith.addf %get3A_454, %get3A_206 : vector<16xf32>
      %swap3A_456 = arith.index_cast %scan3A_431 : i32 to index
      %swap3A_457 = arith.constant 32 : index
      %swap3A_458 = tpu.vector_load %arg10[%swap3A_456, %swap3A_457] {strides = array<i32>} : memref<256x128xf32, #tpu.memory_space<vmem>>, vector<1x16xf32>,
      %swap3A_459 = vector.shape_cast %swap3A_458 : vector<1x16xf32> to vector<16xf32>
      %swap3A_460 = vector.shape_cast %add3A_455 : vector<16xf32> to vector<1x16xf32>
      tpu.vector_store %arg10[%swap3A_456, %swap3A_457], %swap3A_460 {strides = array<i32>} : memref<256x128xf32, #tpu.memory_space<vmem>>, vector<1x16xf32>,
      %get3A_461 = arith.index_cast %scan3A_431 : i32 to index
      %get3A_462 = arith.constant 48 : index
      %get3A_463 = tpu.vector_load %arg10[%get3A_461, %get3A_462] {strides = array<i32>} : memref<256x128xf32, #tpu.memory_space<vmem>>, vector<1x16xf32>,
      %get3A_464 = vector.shape_cast %get3A_463 : vector<1x16xf32> to vector<16xf32>
      %add3A_465 = arith.addf %get3A_464, %get3A_210 : vector<16xf32>
      %swap3A_466 = arith.index_cast %scan3A_431 : i32 to index
      %swap3A_467 = arith.constant 48 : index
      %swap3A_468 = tpu.vector_load %arg10[%swap3A_466, %swap3A_467] {strides = array<i32>} : memref<256x128xf32, #tpu.memory_space<vmem>>, vector<1x16xf32>,
      %swap3A_469 = vector.shape_cast %swap3A_468 : vector<1x16xf32> to vector<16xf32>
      %swap3A_470 = vector.shape_cast %add3A_465 : vector<16xf32> to vector<1x16xf32>
      tpu.vector_store %arg10[%swap3A_466, %swap3A_467], %swap3A_470 {strides = array<i32>} : memref<256x128xf32, #tpu.memory_space<vmem>>, vector<1x16xf32>,
      %get3A_471 = arith.index_cast %scan3A_431 : i32 to index
      %get3A_472 = arith.constant 64 : index
      %get3A_473 = tpu.vector_load %arg10[%get3A_471, %get3A_472] {strides = array<i32>} : memref<256x128xf32, #tpu.memory_space<vmem>>, vector<1x16xf32>,
      %get3A_474 = vector.shape_cast %get3A_473 : vector<1x16xf32> to vector<16xf32>
      %add3A_475 = arith.addf %get3A_474, %get3A_214 : vector<16xf32>
      %swap3A_476 = arith.index_cast %scan3A_431 : i32 to index
      %swap3A_477 = arith.constant 64 : index
      %swap3A_478 = tpu.vector_load %arg10[%swap3A_476, %swap3A_477] {strides = array<i32>} : memref<256x128xf32, #tpu.memory_space<vmem>>, vector<1x16xf32>,
      %swap3A_479 = vector.shape_cast %swap3A_478 : vector<1x16xf32> to vector<16xf32>
      %swap3A_480 = vector.shape_cast %add3A_475 : vector<16xf32> to vector<1x16xf32>
      tpu.vector_store %arg10[%swap3A_476, %swap3A_477], %swap3A_480 {strides = array<i32>} : memref<256x128xf32, #tpu.memory_space<vmem>>, vector<1x16xf32>,
      %get3A_481 = arith.index_cast %scan3A_431 : i32 to index
      %get3A_482 = arith.constant 80 : index
      %get3A_483 = tpu.vector_load %arg10[%get3A_481, %get3A_482] {strides = array<i32>} : memref<256x128xf32, #tpu.memory_space<vmem>>, vector<1x16xf32>,
      %get3A_484 = vector.shape_cast %get3A_483 : vector<1x16xf32> to vector<16xf32>
      %add3A_485 = arith.addf %get3A_484, %get3A_218 : vector<16xf32>
      %swap3A_486 = arith.index_cast %scan3A_431 : i32 to index
      %swap3A_487 = arith.constant 80 : index
      %swap3A_488 = tpu.vector_load %arg10[%swap3A_486, %swap3A_487] {strides = array<i32>} : memref<256x128xf32, #tpu.memory_space<vmem>>, vector<1x16xf32>,
      %swap3A_489 = vector.shape_cast %swap3A_488 : vector<1x16xf32> to vector<16xf32>
      %swap3A_490 = vector.shape_cast %add3A_485 : vector<16xf32> to vector<1x16xf32>
      tpu.vector_store %arg10[%swap3A_486, %swap3A_487], %swap3A_490 {strides = array<i32>} : memref<256x128xf32, #tpu.memory_space<vmem>>, vector<1x16xf32>,
      %get3A_491 = arith.index_cast %scan3A_431 : i32 to index
      %get3A_492 = arith.constant 96 : index
      %get3A_493 = tpu.vector_load %arg10[%get3A_491, %get3A_492] {strides = array<i32>} : memref<256x128xf32, #tpu.memory_space<vmem>>, vector<1x16xf32>,
      %get3A_494 = vector.shape_cast %get3A_493 : vector<1x16xf32> to vector<16xf32>
      %add3A_495 = arith.addf %get3A_494, %get3A_222 : vector<16xf32>
      %swap3A_496 = arith.index_cast %scan3A_431 : i32 to index
      %swap3A_497 = arith.constant 96 : index
      %swap3A_498 = tpu.vector_load %arg10[%swap3A_496, %swap3A_497] {strides = array<i32>} : memref<256x128xf32, #tpu.memory_space<vmem>>, vector<1x16xf32>,
      %swap3A_499 = vector.shape_cast %swap3A_498 : vector<1x16xf32> to vector<16xf32>
      %swap3A_500 = vector.shape_cast %add3A_495 : vector<16xf32> to vector<1x16xf32>
      tpu.vector_store %arg10[%swap3A_496, %swap3A_497], %swap3A_500 {strides = array<i32>} : memref<256x128xf32, #tpu.memory_space<vmem>>, vector<1x16xf32>,
      %get3A_501 = arith.index_cast %scan3A_431 : i32 to index
      %get3A_502 = arith.constant 112 : index
      %get3A_503 = tpu.vector_load %arg10[%get3A_501, %get3A_502] {strides = array<i32>} : memref<256x128xf32, #tpu.memory_space<vmem>>, vector<1x16xf32>,
      %get3A_504 = vector.shape_cast %get3A_503 : vector<1x16xf32> to vector<16xf32>
      %add3A_505 = arith.addf %get3A_504, %get3A_226 : vector<16xf32>
      %swap3A_506 = arith.index_cast %scan3A_431 : i32 to index
      %swap3A_507 = arith.constant 112 : index
      %swap3A_508 = tpu.vector_load %arg10[%swap3A_506, %swap3A_507] {strides = array<i32>} : memref<256x128xf32, #tpu.memory_space<vmem>>, vector<1x16xf32>,
      %swap3A_509 = vector.shape_cast %swap3A_508 : vector<1x16xf32> to vector<16xf32>
      %swap3A_510 = vector.shape_cast %add3A_505 : vector<16xf32> to vector<1x16xf32>
      tpu.vector_store %arg10[%swap3A_506, %swap3A_507], %swap3A_510 {strides = array<i32>} : memref<256x128xf32, #tpu.memory_space<vmem>>, vector<1x16xf32>,
    }
    %scan3A_232 = arith.constant 256 : i32
    "tpu.region"() ({
      %run_scoped3A = tpu.sem_alloc : memref<!tpu.dma_semaphore, #tpu.memory_space<semaphore_mem>>
      %dma_start3A_431 = arith.constant 0 : i32
      %dma_start3A_432 = arith.constant 0 : i32
      %dma_start3A_433 = tpu.memref_slice %arg5[%add3A_148, %dma_start3A_431, %dma_start3A_432] : memref<156x256x128xf32, #tpu.memory_space<hbm>> -> memref<1x256x128xf32, #tpu.memory_space<hbm>>
      %dma_start3A_434 = tpu.memref_squeeze %dma_start3A_433 : memref<1x256x128xf32, #tpu.memory_space<hbm>> -> memref<256x128xf32, #tpu.memory_space<hbm>>
      %dma_start3A_435 = arith.constant 0 : i32
      %dma_start3A_436 = arith.constant 0 : i32
      %dma_start3A_437 = tpu.memref_slice %arg5[%add3A_148, %dma_start3A_435, %dma_start3A_436] : memref<156x256x128xf32, #tpu.memory_space<hbm>> -> memref<1x256x128xf32, #tpu.memory_space<hbm>>
      %dma_start3A_438 = tpu.memref_squeeze %dma_start3A_437 : memref<1x256x128xf32, #tpu.memory_space<hbm>> -> memref<256x128xf32, #tpu.memory_space<hbm>>
      tpu.enqueue_dma source(%arg10 : memref<256x128xf32, #tpu.memory_space<vmem>>) target(%dma_start3A_438 : memref<256x128xf32, #tpu.memory_space<hbm>>) target_semaphore(%run_scoped3A : memref<!tpu.dma_semaphore, #tpu.memory_space<semaphore_mem>>)
      %dma_wait3A_439 = arith.constant 0 : i32
      %dma_wait3A_440 = arith.constant 0 : i32
      %dma_wait3A_441 = tpu.memref_slice %arg5[%add3A_148, %dma_wait3A_439, %dma_wait3A_440] : memref<156x256x128xf32, #tpu.memory_space<hbm>> -> memref<1x256x128xf32, #tpu.memory_space<hbm>>
      %dma_wait3A_442 = tpu.memref_squeeze %dma_wait3A_441 : memref<1x256x128xf32, #tpu.memory_space<hbm>> -> memref<256x128xf32, #tpu.memory_space<hbm>>
      %dma_wait3A_443 = arith.constant 0 : i32
      %dma_wait3A_444 = arith.constant 0 : i32
      %dma_wait3A_445 = tpu.memref_slice %arg5[%add3A_148, %dma_wait3A_443, %dma_wait3A_444] : memref<156x256x128xf32, #tpu.memory_space<hbm>> -> memref<1x256x128xf32, #tpu.memory_space<hbm>>
      %dma_wait3A_446 = tpu.memref_squeeze %dma_wait3A_445 : memref<1x256x128xf32, #tpu.memory_space<hbm>> -> memref<256x128xf32, #tpu.memory_space<hbm>>
      tpu.wait_dma2 semaphore(%run_scoped3A : memref<!tpu.dma_semaphore, #tpu.memory_space<semaphore_mem>>) src(%arg10 : memref<256x128xf32, #tpu.memory_space<vmem>>) dst(%dma_wait3A_446 : memref<256x128xf32, #tpu.memory_space<hbm>>)
      tpu.yield
    }) : () -> ()
    %add3A_233 = arith.constant 96 : i32
    %add3A_234 = arith.addi %add3A_233, %add3A : i32
    %add3A_235 = arith.constant 44 : i32
    %add3A_236 = arith.addi %add3A_235, %add3A_234 : i32
    "tpu.region"() ({
      %run_scoped3A = tpu.sem_alloc : memref<!tpu.dma_semaphore, #tpu.memory_space<semaphore_mem>>
      %dma_start3A_431 = arith.constant 0 : i32
      %dma_start3A_432 = arith.constant 0 : i32
      %dma_start3A_433 = tpu.memref_slice %arg4[%add3A_236, %dma_start3A_431, %dma_start3A_432] : memref<200x2x128xi32, #tpu.memory_space<hbm>> -> memref<1x2x128xi32, #tpu.memory_space<hbm>>
      %dma_start3A_434 = tpu.memref_squeeze %dma_start3A_433 : memref<1x2x128xi32, #tpu.memory_space<hbm>> -> memref<2x128xi32, #tpu.memory_space<hbm>>
      %dma_start3A_435 = arith.constant 0 : i32
      %dma_start3A_436 = arith.constant 0 : i32
      %dma_start3A_437 = tpu.memref_slice %arg4[%add3A_236, %dma_start3A_435, %dma_start3A_436] : memref<200x2x128xi32, #tpu.memory_space<hbm>> -> memref<1x2x128xi32, #tpu.memory_space<hbm>>
      %dma_start3A_438 = tpu.memref_squeeze %dma_start3A_437 : memref<1x2x128xi32, #tpu.memory_space<hbm>> -> memref<2x128xi32, #tpu.memory_space<hbm>>
      tpu.enqueue_dma source(%dma_start3A_438 : memref<2x128xi32, #tpu.memory_space<hbm>>) target(%arg8 : memref<2x128xi32, #tpu.memory_space<vmem>>) target_semaphore(%run_scoped3A : memref<!tpu.dma_semaphore, #tpu.memory_space<semaphore_mem>>)
      %dma_wait3A_439 = arith.constant 0 : i32
      %dma_wait3A_440 = arith.constant 0 : i32
      %dma_wait3A_441 = tpu.memref_slice %arg4[%add3A_236, %dma_wait3A_439, %dma_wait3A_440] : memref<200x2x128xi32, #tpu.memory_space<hbm>> -> memref<1x2x128xi32, #tpu.memory_space<hbm>>
      %dma_wait3A_442 = tpu.memref_squeeze %dma_wait3A_441 : memref<1x2x128xi32, #tpu.memory_space<hbm>> -> memref<2x128xi32, #tpu.memory_space<hbm>>
      %dma_wait3A_443 = arith.constant 0 : i32
      %dma_wait3A_444 = arith.constant 0 : i32
      %dma_wait3A_445 = tpu.memref_slice %arg4[%add3A_236, %dma_wait3A_443, %dma_wait3A_444] : memref<200x2x128xi32, #tpu.memory_space<hbm>> -> memref<1x2x128xi32, #tpu.memory_space<hbm>>
      %dma_wait3A_446 = tpu.memref_squeeze %dma_wait3A_445 : memref<1x2x128xi32, #tpu.memory_space<hbm>> -> memref<2x128xi32, #tpu.memory_space<hbm>>
      tpu.wait_dma2 semaphore(%run_scoped3A : memref<!tpu.dma_semaphore, #tpu.memory_space<semaphore_mem>>) src(%dma_wait3A_446 : memref<2x128xi32, #tpu.memory_space<hbm>>) dst(%arg8 : memref<2x128xi32, #tpu.memory_space<vmem>>)
      tpu.yield
    }) : () -> ()
    %dma_start3A_237 = arith.constant 0 : i32
    %dma_start3A_238 = arith.constant 0 : i32
    %dma_start3A_239 = arith.constant 0 : i32
    %dma_start3A_240 = tpu.memref_slice %arg10[%dma_start3A_238, %dma_start3A_239] : memref<256x128xf32, #tpu.memory_space<vmem>> -> memref<128x128xf32, #tpu.memory_space<vmem>>
    %dma_start3A_241 = arith.constant 0 : i32
    %dma_start3A_242 = tpu.memref_slice %arg8[%dma_start3A_237, %dma_start3A_241] : memref<2x128xi32, #tpu.memory_space<vmem>> -> memref<1x128xi32, #tpu.memory_space<vmem>>
    %dma_start3A_243 = tpu.memref_squeeze %dma_start3A_242 : memref<1x128xi32, #tpu.memory_space<vmem>> -> memref<128xi32, #tpu.memory_space<vmem>>
    %dma_start3A_244 = arith.constant 0 : i32
    %dma_start3A_245 = arith.constant 0 : i32
    %dma_start3A_246 = tpu.memref_slice %arg2[%dma_start3A_244, %dma_start3A_245] : memref<1000x128xf32, #tpu.memory_space<hbm>> -> memref<1000x128xf32, #tpu.memory_space<hbm>>
    tpu.enqueue_indirect_dma source(%dma_start3A_246 : memref<1000x128xf32, #tpu.memory_space<hbm>>) target(%dma_start3A_240 : memref<128x128xf32, #tpu.memory_space<vmem>>) offsets(%dma_start3A_243 : memref<128xi32, #tpu.memory_space<vmem>>) semaphore(%arg11 : memref<!tpu.dma_semaphore, #tpu.memory_space<semaphore_mem>>)
    %dma_start3A_247 = arith.constant 1 : i32
    %dma_start3A_248 = arith.constant 128 : i32
    %dma_start3A_249 = arith.constant 0 : i32
    %dma_start3A_250 = tpu.memref_slice %arg10[%dma_start3A_248, %dma_start3A_249] : memref<256x128xf32, #tpu.memory_space<vmem>> -> memref<128x128xf32, #tpu.memory_space<vmem>>
    %dma_start3A_251 = arith.constant 0 : i32
    %dma_start3A_252 = tpu.memref_slice %arg8[%dma_start3A_247, %dma_start3A_251] : memref<2x128xi32, #tpu.memory_space<vmem>> -> memref<1x128xi32, #tpu.memory_space<vmem>>
    %dma_start3A_253 = tpu.memref_squeeze %dma_start3A_252 : memref<1x128xi32, #tpu.memory_space<vmem>> -> memref<128xi32, #tpu.memory_space<vmem>>
    %dma_start3A_254 = arith.constant 0 : i32
    %dma_start3A_255 = arith.constant 0 : i32
    %dma_start3A_256 = tpu.memref_slice %arg2[%dma_start3A_254, %dma_start3A_255] : memref<1000x128xf32, #tpu.memory_space<hbm>> -> memref<1000x128xf32, #tpu.memory_space<hbm>>
    tpu.enqueue_indirect_dma source(%dma_start3A_256 : memref<1000x128xf32, #tpu.memory_space<hbm>>) target(%dma_start3A_250 : memref<128x128xf32, #tpu.memory_space<vmem>>) offsets(%dma_start3A_253 : memref<128xi32, #tpu.memory_space<vmem>>) semaphore(%arg11 : memref<!tpu.dma_semaphore, #tpu.memory_space<semaphore_mem>>)
    %add3A_257 = arith.constant 64 : i32
    %add3A_258 = arith.addi %add3A_257, %add3A : i32
    %add3A_259 = arith.constant 44 : i32
    %add3A_260 = arith.addi %add3A_259, %add3A_258 : i32
    %jit3A_261 = arith.constant 4 : i32
    %div3A_262 = arith.divsi %add3A_260, %jit3A_261 : i32
    %sign3A_263 = arith.constant 0 : i32
    %sign3A_264 = arith.cmpi sgt, %add3A_260, %sign3A_263 : i32
    %sign3A_265 = arith.extui %sign3A_264 : i1 to i32
    %sign3A_266 = arith.constant 0 : i32
    %sign3A_267 = arith.cmpi slt, %add3A_260, %sign3A_266 : i32
    %sign3A_268 = arith.extui %sign3A_267 : i1 to i32
    %sign3A_269 = arith.subi %sign3A_265, %sign3A_268 : i32
    %sign3A_270 = arith.constant 0 : i32
    %sign3A_271 = arith.cmpi sgt, %jit3A_261, %sign3A_270 : i32
    %sign3A_272 = arith.extui %sign3A_271 : i1 to i32
    %sign3A_273 = arith.constant 0 : i32
    %sign3A_274 = arith.cmpi slt, %jit3A_261, %sign3A_273 : i32
    %sign3A_275 = arith.extui %sign3A_274 : i1 to i32
    %sign3A_276 = arith.subi %sign3A_272, %sign3A_275 : i32
    %ne3A_277 = arith.cmpi ne, %sign3A_269, %sign3A_276 : i32
    %rem3A_278 = arith.remsi %add3A_260, %jit3A_261 : i32
    %ne3A_279 = arith.constant 0 : i32
    %ne3A_280 = arith.cmpi ne, %rem3A_278, %ne3A_279 : i32
    %and3A_281 = arith.andi %ne3A_277, %ne3A_280 : i1
    %sub3A_282 = arith.constant 1 : i32
    %sub3A_283 = arith.subi %div3A_262, %sub3A_282 : i32
    %select_n3A_284 = arith.select %and3A_281, %sub3A_283, %div3A_262 : i32
    %dma_wait3A_285 = arith.constant 0 : i32
    %dma_wait3A_286 = arith.constant 0 : i32
    %dma_wait3A_287 = arith.constant 0 : i32
    %dma_wait3A_288 = tpu.memref_slice %arg9[%dma_wait3A_286, %dma_wait3A_287] : memref<256x128xf32, #tpu.memory_space<vmem>> -> memref<128x128xf32, #tpu.memory_space<vmem>>
    %dma_wait3A_289 = arith.constant 0 : i32
    %dma_wait3A_290 = tpu.memref_slice %arg7[%dma_wait3A_285, %dma_wait3A_289] : memref<2x128xi32, #tpu.memory_space<vmem>> -> memref<1x128xi32, #tpu.memory_space<vmem>>
    %dma_wait3A_291 = tpu.memref_squeeze %dma_wait3A_290 : memref<1x128xi32, #tpu.memory_space<vmem>> -> memref<128xi32, #tpu.memory_space<vmem>>
    %dma_wait3A_292 = arith.constant 0 : i32
    %dma_wait3A_293 = arith.constant 0 : i32
    %dma_wait3A_294 = tpu.memref_slice %arg2[%dma_wait3A_292, %dma_wait3A_293] : memref<1000x128xf32, #tpu.memory_space<hbm>> -> memref<1000x128xf32, #tpu.memory_space<hbm>>
    tpu.wait_indirect_dma semaphore(%arg11 : memref<!tpu.dma_semaphore, #tpu.memory_space<semaphore_mem>>) src(%dma_wait3A_294 : memref<1000x128xf32, #tpu.memory_space<hbm>>) dst(%dma_wait3A_288 : memref<128x128xf32, #tpu.memory_space<vmem>>)
    %dma_wait3A_295 = arith.constant 1 : i32
    %dma_wait3A_296 = arith.constant 128 : i32
    %dma_wait3A_297 = arith.constant 0 : i32
    %dma_wait3A_298 = tpu.memref_slice %arg9[%dma_wait3A_296, %dma_wait3A_297] : memref<256x128xf32, #tpu.memory_space<vmem>> -> memref<128x128xf32, #tpu.memory_space<vmem>>
    %dma_wait3A_299 = arith.constant 0 : i32
    %dma_wait3A_300 = tpu.memref_slice %arg7[%dma_wait3A_295, %dma_wait3A_299] : memref<2x128xi32, #tpu.memory_space<vmem>> -> memref<1x128xi32, #tpu.memory_space<vmem>>
    %dma_wait3A_301 = tpu.memref_squeeze %dma_wait3A_300 : memref<1x128xi32, #tpu.memory_space<vmem>> -> memref<128xi32, #tpu.memory_space<vmem>>
    %dma_wait3A_302 = arith.constant 0 : i32
    %dma_wait3A_303 = arith.constant 0 : i32
    %dma_wait3A_304 = tpu.memref_slice %arg2[%dma_wait3A_302, %dma_wait3A_303] : memref<1000x128xf32, #tpu.memory_space<hbm>> -> memref<1000x128xf32, #tpu.memory_space<hbm>>
    tpu.wait_indirect_dma semaphore(%arg11 : memref<!tpu.dma_semaphore, #tpu.memory_space<semaphore_mem>>) src(%dma_wait3A_304 : memref<1000x128xf32, #tpu.memory_space<hbm>>) dst(%dma_wait3A_298 : memref<128x128xf32, #tpu.memory_space<vmem>>)
    %get3A_305 = arith.index_cast %select_n3A_284 : i32 to index
    %get3A_306 = arith.constant 0 : index
    %get3A_307 = tpu.vector_load %arg6[%get3A_305, %get3A_306] {strides = array<i32>} : memref<50x128xf32, #tpu.memory_space<vmem>>, vector<1x16xf32>,
    %get3A_308 = vector.shape_cast %get3A_307 : vector<1x16xf32> to vector<16xf32>
    %get3A_309 = arith.index_cast %select_n3A_284 : i32 to index
    %get3A_310 = arith.constant 16 : index
    %get3A_311 = tpu.vector_load %arg6[%get3A_309, %get3A_310] {strides = array<i32>} : memref<50x128xf32, #tpu.memory_space<vmem>>, vector<1x16xf32>,
    %get3A_312 = vector.shape_cast %get3A_311 : vector<1x16xf32> to vector<16xf32>
    %get3A_313 = arith.index_cast %select_n3A_284 : i32 to index
    %get3A_314 = arith.constant 32 : index
    %get3A_315 = tpu.vector_load %arg6[%get3A_313, %get3A_314] {strides = array<i32>} : memref<50x128xf32, #tpu.memory_space<vmem>>, vector<1x16xf32>,
    %get3A_316 = vector.shape_cast %get3A_315 : vector<1x16xf32> to vector<16xf32>
    %get3A_317 = arith.index_cast %select_n3A_284 : i32 to index
    %get3A_318 = arith.constant 48 : index
    %get3A_319 = tpu.vector_load %arg6[%get3A_317, %get3A_318] {strides = array<i32>} : memref<50x128xf32, #tpu.memory_space<vmem>>, vector<1x16xf32>,
    %get3A_320 = vector.shape_cast %get3A_319 : vector<1x16xf32> to vector<16xf32>
    %get3A_321 = arith.index_cast %select_n3A_284 : i32 to index
    %get3A_322 = arith.constant 64 : index
    %get3A_323 = tpu.vector_load %arg6[%get3A_321, %get3A_322] {strides = array<i32>} : memref<50x128xf32, #tpu.memory_space<vmem>>, vector<1x16xf32>,
    %get3A_324 = vector.shape_cast %get3A_323 : vector<1x16xf32> to vector<16xf32>
    %get3A_325 = arith.index_cast %select_n3A_284 : i32 to index
    %get3A_326 = arith.constant 80 : index
    %get3A_327 = tpu.vector_load %arg6[%get3A_325, %get3A_326] {strides = array<i32>} : memref<50x128xf32, #tpu.memory_space<vmem>>, vector<1x16xf32>,
    %get3A_328 = vector.shape_cast %get3A_327 : vector<1x16xf32> to vector<16xf32>
    %get3A_329 = arith.index_cast %select_n3A_284 : i32 to index
    %get3A_330 = arith.constant 96 : index
    %get3A_331 = tpu.vector_load %arg6[%get3A_329, %get3A_330] {strides = array<i32>} : memref<50x128xf32, #tpu.memory_space<vmem>>, vector<1x16xf32>,
    %get3A_332 = vector.shape_cast %get3A_331 : vector<1x16xf32> to vector<16xf32>
    %get3A_333 = arith.index_cast %select_n3A_284 : i32 to index
    %get3A_334 = arith.constant 112 : index
    %get3A_335 = tpu.vector_load %arg6[%get3A_333, %get3A_334] {strides = array<i32>} : memref<50x128xf32, #tpu.memory_space<vmem>>, vector<1x16xf32>,
    %get3A_336 = vector.shape_cast %get3A_335 : vector<1x16xf32> to vector<16xf32>
    %scan3A_337 = arith.constant 0 : i32
    %scan3A_338 = arith.constant 0 : i32
    %scan3A_339 = arith.constant 256 : i32
    %scan3A_340 = arith.addi %scan3A_338, %scan3A_339 : i32
    %scan3A_341 = arith.constant 1 : i32
    scf.for %scan3A_431 = %scan3A_338 to %scan3A_340 step %scan3A_341  : i32 {
      %get3A_432 = arith.index_cast %scan3A_431 : i32 to index
      %get3A_433 = arith.constant 0 : index
      %get3A_434 = tpu.vector_load %arg9[%get3A_432, %get3A_433] {strides = array<i32>} : memref<256x128xf32, #tpu.memory_space<vmem>>, vector<1x16xf32>,
      %get3A_435 = vector.shape_cast %get3A_434 : vector<1x16xf32> to vector<16xf32>
      %add3A_436 = arith.addf %get3A_435, %get3A_308 : vector<16xf32>
      %swap3A = arith.index_cast %scan3A_431 : i32 to index
      %swap3A_437 = arith.constant 0 : index
      %swap3A_438 = tpu.vector_load %arg9[%swap3A, %swap3A_437] {strides = array<i32>} : memref<256x128xf32, #tpu.memory_space<vmem>>, vector<1x16xf32>,
      %swap3A_439 = vector.shape_cast %swap3A_438 : vector<1x16xf32> to vector<16xf32>
      %swap3A_440 = vector.shape_cast %add3A_436 : vector<16xf32> to vector<1x16xf32>
      tpu.vector_store %arg9[%swap3A, %swap3A_437], %swap3A_440 {strides = array<i32>} : memref<256x128xf32, #tpu.memory_space<vmem>>, vector<1x16xf32>,
      %get3A_441 = arith.index_cast %scan3A_431 : i32 to index
      %get3A_442 = arith.constant 16 : index
      %get3A_443 = tpu.vector_load %arg9[%get3A_441, %get3A_442] {strides = array<i32>} : memref<256x128xf32, #tpu.memory_space<vmem>>, vector<1x16xf32>,
      %get3A_444 = vector.shape_cast %get3A_443 : vector<1x16xf32> to vector<16xf32>
      %add3A_445 = arith.addf %get3A_444, %get3A_312 : vector<16xf32>
      %swap3A_446 = arith.index_cast %scan3A_431 : i32 to index
      %swap3A_447 = arith.constant 16 : index
      %swap3A_448 = tpu.vector_load %arg9[%swap3A_446, %swap3A_447] {strides = array<i32>} : memref<256x128xf32, #tpu.memory_space<vmem>>, vector<1x16xf32>,
      %swap3A_449 = vector.shape_cast %swap3A_448 : vector<1x16xf32> to vector<16xf32>
      %swap3A_450 = vector.shape_cast %add3A_445 : vector<16xf32> to vector<1x16xf32>
      tpu.vector_store %arg9[%swap3A_446, %swap3A_447], %swap3A_450 {strides = array<i32>} : memref<256x128xf32, #tpu.memory_space<vmem>>, vector<1x16xf32>,
      %get3A_451 = arith.index_cast %scan3A_431 : i32 to index
      %get3A_452 = arith.constant 32 : index
      %get3A_453 = tpu.vector_load %arg9[%get3A_451, %get3A_452] {strides = array<i32>} : memref<256x128xf32, #tpu.memory_space<vmem>>, vector<1x16xf32>,
      %get3A_454 = vector.shape_cast %get3A_453 : vector<1x16xf32> to vector<16xf32>
      %add3A_455 = arith.addf %get3A_454, %get3A_316 : vector<16xf32>
      %swap3A_456 = arith.index_cast %scan3A_431 : i32 to index
      %swap3A_457 = arith.constant 32 : index
      %swap3A_458 = tpu.vector_load %arg9[%swap3A_456, %swap3A_457] {strides = array<i32>} : memref<256x128xf32, #tpu.memory_space<vmem>>, vector<1x16xf32>,
      %swap3A_459 = vector.shape_cast %swap3A_458 : vector<1x16xf32> to vector<16xf32>
      %swap3A_460 = vector.shape_cast %add3A_455 : vector<16xf32> to vector<1x16xf32>
      tpu.vector_store %arg9[%swap3A_456, %swap3A_457], %swap3A_460 {strides = array<i32>} : memref<256x128xf32, #tpu.memory_space<vmem>>, vector<1x16xf32>,
      %get3A_461 = arith.index_cast %scan3A_431 : i32 to index
      %get3A_462 = arith.constant 48 : index
      %get3A_463 = tpu.vector_load %arg9[%get3A_461, %get3A_462] {strides = array<i32>} : memref<256x128xf32, #tpu.memory_space<vmem>>, vector<1x16xf32>,
      %get3A_464 = vector.shape_cast %get3A_463 : vector<1x16xf32> to vector<16xf32>
      %add3A_465 = arith.addf %get3A_464, %get3A_320 : vector<16xf32>
      %swap3A_466 = arith.index_cast %scan3A_431 : i32 to index
      %swap3A_467 = arith.constant 48 : index
      %swap3A_468 = tpu.vector_load %arg9[%swap3A_466, %swap3A_467] {strides = array<i32>} : memref<256x128xf32, #tpu.memory_space<vmem>>, vector<1x16xf32>,
      %swap3A_469 = vector.shape_cast %swap3A_468 : vector<1x16xf32> to vector<16xf32>
      %swap3A_470 = vector.shape_cast %add3A_465 : vector<16xf32> to vector<1x16xf32>
      tpu.vector_store %arg9[%swap3A_466, %swap3A_467], %swap3A_470 {strides = array<i32>} : memref<256x128xf32, #tpu.memory_space<vmem>>, vector<1x16xf32>,
      %get3A_471 = arith.index_cast %scan3A_431 : i32 to index
      %get3A_472 = arith.constant 64 : index
      %get3A_473 = tpu.vector_load %arg9[%get3A_471, %get3A_472] {strides = array<i32>} : memref<256x128xf32, #tpu.memory_space<vmem>>, vector<1x16xf32>,
      %get3A_474 = vector.shape_cast %get3A_473 : vector<1x16xf32> to vector<16xf32>
      %add3A_475 = arith.addf %get3A_474, %get3A_324 : vector<16xf32>
      %swap3A_476 = arith.index_cast %scan3A_431 : i32 to index
      %swap3A_477 = arith.constant 64 : index
      %swap3A_478 = tpu.vector_load %arg9[%swap3A_476, %swap3A_477] {strides = array<i32>} : memref<256x128xf32, #tpu.memory_space<vmem>>, vector<1x16xf32>,
      %swap3A_479 = vector.shape_cast %swap3A_478 : vector<1x16xf32> to vector<16xf32>
      %swap3A_480 = vector.shape_cast %add3A_475 : vector<16xf32> to vector<1x16xf32>
      tpu.vector_store %arg9[%swap3A_476, %swap3A_477], %swap3A_480 {strides = array<i32>} : memref<256x128xf32, #tpu.memory_space<vmem>>, vector<1x16xf32>,
      %get3A_481 = arith.index_cast %scan3A_431 : i32 to index
      %get3A_482 = arith.constant 80 : index
      %get3A_483 = tpu.vector_load %arg9[%get3A_481, %get3A_482] {strides = array<i32>} : memref<256x128xf32, #tpu.memory_space<vmem>>, vector<1x16xf32>,
      %get3A_484 = vector.shape_cast %get3A_483 : vector<1x16xf32> to vector<16xf32>
      %add3A_485 = arith.addf %get3A_484, %get3A_328 : vector<16xf32>
      %swap3A_486 = arith.index_cast %scan3A_431 : i32 to index
      %swap3A_487 = arith.constant 80 : index
      %swap3A_488 = tpu.vector_load %arg9[%swap3A_486, %swap3A_487] {strides = array<i32>} : memref<256x128xf32, #tpu.memory_space<vmem>>, vector<1x16xf32>,
      %swap3A_489 = vector.shape_cast %swap3A_488 : vector<1x16xf32> to vector<16xf32>
      %swap3A_490 = vector.shape_cast %add3A_485 : vector<16xf32> to vector<1x16xf32>
      tpu.vector_store %arg9[%swap3A_486, %swap3A_487], %swap3A_490 {strides = array<i32>} : memref<256x128xf32, #tpu.memory_space<vmem>>, vector<1x16xf32>,
      %get3A_491 = arith.index_cast %scan3A_431 : i32 to index
      %get3A_492 = arith.constant 96 : index
      %get3A_493 = tpu.vector_load %arg9[%get3A_491, %get3A_492] {strides = array<i32>} : memref<256x128xf32, #tpu.memory_space<vmem>>, vector<1x16xf32>,
      %get3A_494 = vector.shape_cast %get3A_493 : vector<1x16xf32> to vector<16xf32>
      %add3A_495 = arith.addf %get3A_494, %get3A_332 : vector<16xf32>
      %swap3A_496 = arith.index_cast %scan3A_431 : i32 to index
      %swap3A_497 = arith.constant 96 : index
      %swap3A_498 = tpu.vector_load %arg9[%swap3A_496, %swap3A_497] {strides = array<i32>} : memref<256x128xf32, #tpu.memory_space<vmem>>, vector<1x16xf32>,
      %swap3A_499 = vector.shape_cast %swap3A_498 : vector<1x16xf32> to vector<16xf32>
      %swap3A_500 = vector.shape_cast %add3A_495 : vector<16xf32> to vector<1x16xf32>
      tpu.vector_store %arg9[%swap3A_496, %swap3A_497], %swap3A_500 {strides = array<i32>} : memref<256x128xf32, #tpu.memory_space<vmem>>, vector<1x16xf32>,
      %get3A_501 = arith.index_cast %scan3A_431 : i32 to index
      %get3A_502 = arith.constant 112 : index
      %get3A_503 = tpu.vector_load %arg9[%get3A_501, %get3A_502] {strides = array<i32>} : memref<256x128xf32, #tpu.memory_space<vmem>>, vector<1x16xf32>,
      %get3A_504 = vector.shape_cast %get3A_503 : vector<1x16xf32> to vector<16xf32>
      %add3A_505 = arith.addf %get3A_504, %get3A_336 : vector<16xf32>
      %swap3A_506 = arith.index_cast %scan3A_431 : i32 to index
      %swap3A_507 = arith.constant 112 : index
      %swap3A_508 = tpu.vector_load %arg9[%swap3A_506, %swap3A_507] {strides = array<i32>} : memref<256x128xf32, #tpu.memory_space<vmem>>, vector<1x16xf32>,
      %swap3A_509 = vector.shape_cast %swap3A_508 : vector<1x16xf32> to vector<16xf32>
      %swap3A_510 = vector.shape_cast %add3A_505 : vector<16xf32> to vector<1x16xf32>
      tpu.vector_store %arg9[%swap3A_506, %swap3A_507], %swap3A_510 {strides = array<i32>} : memref<256x128xf32, #tpu.memory_space<vmem>>, vector<1x16xf32>,
    }
    %scan3A_342 = arith.constant 256 : i32
    "tpu.region"() ({
      %run_scoped3A = tpu.sem_alloc : memref<!tpu.dma_semaphore, #tpu.memory_space<semaphore_mem>>
      %dma_start3A_431 = arith.constant 0 : i32
      %dma_start3A_432 = arith.constant 0 : i32
      %dma_start3A_433 = tpu.memref_slice %arg5[%add3A_258, %dma_start3A_431, %dma_start3A_432] : memref<156x256x128xf32, #tpu.memory_space<hbm>> -> memref<1x256x128xf32, #tpu.memory_space<hbm>>
      %dma_start3A_434 = tpu.memref_squeeze %dma_start3A_433 : memref<1x256x128xf32, #tpu.memory_space<hbm>> -> memref<256x128xf32, #tpu.memory_space<hbm>>
      %dma_start3A_435 = arith.constant 0 : i32
      %dma_start3A_436 = arith.constant 0 : i32
      %dma_start3A_437 = tpu.memref_slice %arg5[%add3A_258, %dma_start3A_435, %dma_start3A_436] : memref<156x256x128xf32, #tpu.memory_space<hbm>> -> memref<1x256x128xf32, #tpu.memory_space<hbm>>
      %dma_start3A_438 = tpu.memref_squeeze %dma_start3A_437 : memref<1x256x128xf32, #tpu.memory_space<hbm>> -> memref<256x128xf32, #tpu.memory_space<hbm>>
      tpu.enqueue_dma source(%arg9 : memref<256x128xf32, #tpu.memory_space<vmem>>) target(%dma_start3A_438 : memref<256x128xf32, #tpu.memory_space<hbm>>) target_semaphore(%run_scoped3A : memref<!tpu.dma_semaphore, #tpu.memory_space<semaphore_mem>>)
      %dma_wait3A_439 = arith.constant 0 : i32
      %dma_wait3A_440 = arith.constant 0 : i32
      %dma_wait3A_441 = tpu.memref_slice %arg5[%add3A_258, %dma_wait3A_439, %dma_wait3A_440] : memref<156x256x128xf32, #tpu.memory_space<hbm>> -> memref<1x256x128xf32, #tpu.memory_space<hbm>>
      %dma_wait3A_442 = tpu.memref_squeeze %dma_wait3A_441 : memref<1x256x128xf32, #tpu.memory_space<hbm>> -> memref<256x128xf32, #tpu.memory_space<hbm>>
      %dma_wait3A_443 = arith.constant 0 : i32
      %dma_wait3A_444 = arith.constant 0 : i32
      %dma_wait3A_445 = tpu.memref_slice %arg5[%add3A_258, %dma_wait3A_443, %dma_wait3A_444] : memref<156x256x128xf32, #tpu.memory_space<hbm>> -> memref<1x256x128xf32, #tpu.memory_space<hbm>>
      %dma_wait3A_446 = tpu.memref_squeeze %dma_wait3A_445 : memref<1x256x128xf32, #tpu.memory_space<hbm>> -> memref<256x128xf32, #tpu.memory_space<hbm>>
      tpu.wait_dma2 semaphore(%run_scoped3A : memref<!tpu.dma_semaphore, #tpu.memory_space<semaphore_mem>>) src(%arg9 : memref<256x128xf32, #tpu.memory_space<vmem>>) dst(%dma_wait3A_446 : memref<256x128xf32, #tpu.memory_space<hbm>>)
      tpu.yield
    }) : () -> ()
    %add3A_343 = arith.constant 96 : i32
    %add3A_344 = arith.addi %add3A_343, %add3A : i32
    %add3A_345 = arith.constant 44 : i32
    %add3A_346 = arith.addi %add3A_345, %add3A_344 : i32
    %jit3A_347 = arith.constant 4 : i32
    %div3A_348 = arith.divsi %add3A_346, %jit3A_347 : i32
    %sign3A_349 = arith.constant 0 : i32
    %sign3A_350 = arith.cmpi sgt, %add3A_346, %sign3A_349 : i32
    %sign3A_351 = arith.extui %sign3A_350 : i1 to i32
    %sign3A_352 = arith.constant 0 : i32
    %sign3A_353 = arith.cmpi slt, %add3A_346, %sign3A_352 : i32
    %sign3A_354 = arith.extui %sign3A_353 : i1 to i32
    %sign3A_355 = arith.subi %sign3A_351, %sign3A_354 : i32
    %sign3A_356 = arith.constant 0 : i32
    %sign3A_357 = arith.cmpi sgt, %jit3A_347, %sign3A_356 : i32
    %sign3A_358 = arith.extui %sign3A_357 : i1 to i32
    %sign3A_359 = arith.constant 0 : i32
    %sign3A_360 = arith.cmpi slt, %jit3A_347, %sign3A_359 : i32
    %sign3A_361 = arith.extui %sign3A_360 : i1 to i32
    %sign3A_362 = arith.subi %sign3A_358, %sign3A_361 : i32
    %ne3A_363 = arith.cmpi ne, %sign3A_355, %sign3A_362 : i32
    %rem3A_364 = arith.remsi %add3A_346, %jit3A_347 : i32
    %ne3A_365 = arith.constant 0 : i32
    %ne3A_366 = arith.cmpi ne, %rem3A_364, %ne3A_365 : i32
    %and3A_367 = arith.andi %ne3A_363, %ne3A_366 : i1
    %sub3A_368 = arith.constant 1 : i32
    %sub3A_369 = arith.subi %div3A_348, %sub3A_368 : i32
    %select_n3A_370 = arith.select %and3A_367, %sub3A_369, %div3A_348 : i32
    %dma_wait3A_371 = arith.constant 0 : i32
    %dma_wait3A_372 = arith.constant 0 : i32
    %dma_wait3A_373 = arith.constant 0 : i32
    %dma_wait3A_374 = tpu.memref_slice %arg10[%dma_wait3A_372, %dma_wait3A_373] : memref<256x128xf32, #tpu.memory_space<vmem>> -> memref<128x128xf32, #tpu.memory_space<vmem>>
    %dma_wait3A_375 = arith.constant 0 : i32
    %dma_wait3A_376 = tpu.memref_slice %arg8[%dma_wait3A_371, %dma_wait3A_375] : memref<2x128xi32, #tpu.memory_space<vmem>> -> memref<1x128xi32, #tpu.memory_space<vmem>>
    %dma_wait3A_377 = tpu.memref_squeeze %dma_wait3A_376 : memref<1x128xi32, #tpu.memory_space<vmem>> -> memref<128xi32, #tpu.memory_space<vmem>>
    %dma_wait3A_378 = arith.constant 0 : i32
    %dma_wait3A_379 = arith.constant 0 : i32
    %dma_wait3A_380 = tpu.memref_slice %arg2[%dma_wait3A_378, %dma_wait3A_379] : memref<1000x128xf32, #tpu.memory_space<hbm>> -> memref<1000x128xf32, #tpu.memory_space<hbm>>
    tpu.wait_indirect_dma semaphore(%arg11 : memref<!tpu.dma_semaphore, #tpu.memory_space<semaphore_mem>>) src(%dma_wait3A_380 : memref<1000x128xf32, #tpu.memory_space<hbm>>) dst(%dma_wait3A_374 : memref<128x128xf32, #tpu.memory_space<vmem>>)
    %dma_wait3A_381 = arith.constant 1 : i32
    %dma_wait3A_382 = arith.constant 128 : i32
    %dma_wait3A_383 = arith.constant 0 : i32
    %dma_wait3A_384 = tpu.memref_slice %arg10[%dma_wait3A_382, %dma_wait3A_383] : memref<256x128xf32, #tpu.memory_space<vmem>> -> memref<128x128xf32, #tpu.memory_space<vmem>>
    %dma_wait3A_385 = arith.constant 0 : i32
    %dma_wait3A_386 = tpu.memref_slice %arg8[%dma_wait3A_381, %dma_wait3A_385] : memref<2x128xi32, #tpu.memory_space<vmem>> -> memref<1x128xi32, #tpu.memory_space<vmem>>
    %dma_wait3A_387 = tpu.memref_squeeze %dma_wait3A_386 : memref<1x128xi32, #tpu.memory_space<vmem>> -> memref<128xi32, #tpu.memory_space<vmem>>
    %dma_wait3A_388 = arith.constant 0 : i32
    %dma_wait3A_389 = arith.constant 0 : i32
    %dma_wait3A_390 = tpu.memref_slice %arg2[%dma_wait3A_388, %dma_wait3A_389] : memref<1000x128xf32, #tpu.memory_space<hbm>> -> memref<1000x128xf32, #tpu.memory_space<hbm>>
    tpu.wait_indirect_dma semaphore(%arg11 : memref<!tpu.dma_semaphore, #tpu.memory_space<semaphore_mem>>) src(%dma_wait3A_390 : memref<1000x128xf32, #tpu.memory_space<hbm>>) dst(%dma_wait3A_384 : memref<128x128xf32, #tpu.memory_space<vmem>>)
    %get3A_391 = arith.index_cast %select_n3A_370 : i32 to index
    %get3A_392 = arith.constant 0 : index
    %get3A_393 = tpu.vector_load %arg6[%get3A_391, %get3A_392] {strides = array<i32>} : memref<50x128xf32, #tpu.memory_space<vmem>>, vector<1x16xf32>,
    %get3A_394 = vector.shape_cast %get3A_393 : vector<1x16xf32> to vector<16xf32>
    %get3A_395 = arith.index_cast %select_n3A_370 : i32 to index
    %get3A_396 = arith.constant 16 : index
    %get3A_397 = tpu.vector_load %arg6[%get3A_395, %get3A_396] {strides = array<i32>} : memref<50x128xf32, #tpu.memory_space<vmem>>, vector<1x16xf32>,
    %get3A_398 = vector.shape_cast %get3A_397 : vector<1x16xf32> to vector<16xf32>
    %get3A_399 = arith.index_cast %select_n3A_370 : i32 to index
    %get3A_400 = arith.constant 32 : index
    %get3A_401 = tpu.vector_load %arg6[%get3A_399, %get3A_400] {strides = array<i32>} : memref<50x128xf32, #tpu.memory_space<vmem>>, vector<1x16xf32>,
    %get3A_402 = vector.shape_cast %get3A_401 : vector<1x16xf32> to vector<16xf32>
    %get3A_403 = arith.index_cast %select_n3A_370 : i32 to index
    %get3A_404 = arith.constant 48 : index
    %get3A_405 = tpu.vector_load %arg6[%get3A_403, %get3A_404] {strides = array<i32>} : memref<50x128xf32, #tpu.memory_space<vmem>>, vector<1x16xf32>,
    %get3A_406 = vector.shape_cast %get3A_405 : vector<1x16xf32> to vector<16xf32>
    %get3A_407 = arith.index_cast %select_n3A_370 : i32 to index
    %get3A_408 = arith.constant 64 : index
    %get3A_409 = tpu.vector_load %arg6[%get3A_407, %get3A_408] {strides = array<i32>} : memref<50x128xf32, #tpu.memory_space<vmem>>, vector<1x16xf32>,
    %get3A_410 = vector.shape_cast %get3A_409 : vector<1x16xf32> to vector<16xf32>
    %get3A_411 = arith.index_cast %select_n3A_370 : i32 to index
    %get3A_412 = arith.constant 80 : index
    %get3A_413 = tpu.vector_load %arg6[%get3A_411, %get3A_412] {strides = array<i32>} : memref<50x128xf32, #tpu.memory_space<vmem>>, vector<1x16xf32>,
    %get3A_414 = vector.shape_cast %get3A_413 : vector<1x16xf32> to vector<16xf32>
    %get3A_415 = arith.index_cast %select_n3A_370 : i32 to index
    %get3A_416 = arith.constant 96 : index
    %get3A_417 = tpu.vector_load %arg6[%get3A_415, %get3A_416] {strides = array<i32>} : memref<50x128xf32, #tpu.memory_space<vmem>>, vector<1x16xf32>,
    %get3A_418 = vector.shape_cast %get3A_417 : vector<1x16xf32> to vector<16xf32>
    %get3A_419 = arith.index_cast %select_n3A_370 : i32 to index
    %get3A_420 = arith.constant 112 : index
    %get3A_421 = tpu.vector_load %arg6[%get3A_419, %get3A_420] {strides = array<i32>} : memref<50x128xf32, #tpu.memory_space<vmem>>, vector<1x16xf32>,
    %get3A_422 = vector.shape_cast %get3A_421 : vector<1x16xf32> to vector<16xf32>
    %scan3A_423 = arith.constant 0 : i32
    %scan3A_424 = arith.constant 0 : i32
    %scan3A_425 = arith.constant 256 : i32
    %scan3A_426 = arith.addi %scan3A_424, %scan3A_425 : i32
    %scan3A_427 = arith.constant 1 : i32
    scf.for %scan3A_431 = %scan3A_424 to %scan3A_426 step %scan3A_427  : i32 {
      %get3A_432 = arith.index_cast %scan3A_431 : i32 to index
      %get3A_433 = arith.constant 0 : index
      %get3A_434 = tpu.vector_load %arg10[%get3A_432, %get3A_433] {strides = array<i32>} : memref<256x128xf32, #tpu.memory_space<vmem>>, vector<1x16xf32>,
      %get3A_435 = vector.shape_cast %get3A_434 : vector<1x16xf32> to vector<16xf32>
      %add3A_436 = arith.addf %get3A_435, %get3A_394 : vector<16xf32>
      %swap3A = arith.index_cast %scan3A_431 : i32 to index
      %swap3A_437 = arith.constant 0 : index
      %swap3A_438 = tpu.vector_load %arg10[%swap3A, %swap3A_437] {strides = array<i32>} : memref<256x128xf32, #tpu.memory_space<vmem>>, vector<1x16xf32>,
      %swap3A_439 = vector.shape_cast %swap3A_438 : vector<1x16xf32> to vector<16xf32>
      %swap3A_440 = vector.shape_cast %add3A_436 : vector<16xf32> to vector<1x16xf32>
      tpu.vector_store %arg10[%swap3A, %swap3A_437], %swap3A_440 {strides = array<i32>} : memref<256x128xf32, #tpu.memory_space<vmem>>, vector<1x16xf32>,
      %get3A_441 = arith.index_cast %scan3A_431 : i32 to index
      %get3A_442 = arith.constant 16 : index
      %get3A_443 = tpu.vector_load %arg10[%get3A_441, %get3A_442] {strides = array<i32>} : memref<256x128xf32, #tpu.memory_space<vmem>>, vector<1x16xf32>,
      %get3A_444 = vector.shape_cast %get3A_443 : vector<1x16xf32> to vector<16xf32>
      %add3A_445 = arith.addf %get3A_444, %get3A_398 : vector<16xf32>
      %swap3A_446 = arith.index_cast %scan3A_431 : i32 to index
      %swap3A_447 = arith.constant 16 : index
      %swap3A_448 = tpu.vector_load %arg10[%swap3A_446, %swap3A_447] {strides = array<i32>} : memref<256x128xf32, #tpu.memory_space<vmem>>, vector<1x16xf32>,
      %swap3A_449 = vector.shape_cast %swap3A_448 : vector<1x16xf32> to vector<16xf32>
      %swap3A_450 = vector.shape_cast %add3A_445 : vector<16xf32> to vector<1x16xf32>
      tpu.vector_store %arg10[%swap3A_446, %swap3A_447], %swap3A_450 {strides = array<i32>} : memref<256x128xf32, #tpu.memory_space<vmem>>, vector<1x16xf32>,
      %get3A_451 = arith.index_cast %scan3A_431 : i32 to index
      %get3A_452 = arith.constant 32 : index
      %get3A_453 = tpu.vector_load %arg10[%get3A_451, %get3A_452] {strides = array<i32>} : memref<256x128xf32, #tpu.memory_space<vmem>>, vector<1x16xf32>,
      %get3A_454 = vector.shape_cast %get3A_453 : vector<1x16xf32> to vector<16xf32>
      %add3A_455 = arith.addf %get3A_454, %get3A_402 : vector<16xf32>
      %swap3A_456 = arith.index_cast %scan3A_431 : i32 to index
      %swap3A_457 = arith.constant 32 : index
      %swap3A_458 = tpu.vector_load %arg10[%swap3A_456, %swap3A_457] {strides = array<i32>} : memref<256x128xf32, #tpu.memory_space<vmem>>, vector<1x16xf32>,
      %swap3A_459 = vector.shape_cast %swap3A_458 : vector<1x16xf32> to vector<16xf32>
      %swap3A_460 = vector.shape_cast %add3A_455 : vector<16xf32> to vector<1x16xf32>
      tpu.vector_store %arg10[%swap3A_456, %swap3A_457], %swap3A_460 {strides = array<i32>} : memref<256x128xf32, #tpu.memory_space<vmem>>, vector<1x16xf32>,
      %get3A_461 = arith.index_cast %scan3A_431 : i32 to index
      %get3A_462 = arith.constant 48 : index
      %get3A_463 = tpu.vector_load %arg10[%get3A_461, %get3A_462] {strides = array<i32>} : memref<256x128xf32, #tpu.memory_space<vmem>>, vector<1x16xf32>,
      %get3A_464 = vector.shape_cast %get3A_463 : vector<1x16xf32> to vector<16xf32>
      %add3A_465 = arith.addf %get3A_464, %get3A_406 : vector<16xf32>
      %swap3A_466 = arith.index_cast %scan3A_431 : i32 to index
      %swap3A_467 = arith.constant 48 : index
      %swap3A_468 = tpu.vector_load %arg10[%swap3A_466, %swap3A_467] {strides = array<i32>} : memref<256x128xf32, #tpu.memory_space<vmem>>, vector<1x16xf32>,
      %swap3A_469 = vector.shape_cast %swap3A_468 : vector<1x16xf32> to vector<16xf32>
      %swap3A_470 = vector.shape_cast %add3A_465 : vector<16xf32> to vector<1x16xf32>
      tpu.vector_store %arg10[%swap3A_466, %swap3A_467], %swap3A_470 {strides = array<i32>} : memref<256x128xf32, #tpu.memory_space<vmem>>, vector<1x16xf32>,
      %get3A_471 = arith.index_cast %scan3A_431 : i32 to index
      %get3A_472 = arith.constant 64 : index
      %get3A_473 = tpu.vector_load %arg10[%get3A_471, %get3A_472] {strides = array<i32>} : memref<256x128xf32, #tpu.memory_space<vmem>>, vector<1x16xf32>,
      %get3A_474 = vector.shape_cast %get3A_473 : vector<1x16xf32> to vector<16xf32>
      %add3A_475 = arith.addf %get3A_474, %get3A_410 : vector<16xf32>
      %swap3A_476 = arith.index_cast %scan3A_431 : i32 to index
      %swap3A_477 = arith.constant 64 : index
      %swap3A_478 = tpu.vector_load %arg10[%swap3A_476, %swap3A_477] {strides = array<i32>} : memref<256x128xf32, #tpu.memory_space<vmem>>, vector<1x16xf32>,
      %swap3A_479 = vector.shape_cast %swap3A_478 : vector<1x16xf32> to vector<16xf32>
      %swap3A_480 = vector.shape_cast %add3A_475 : vector<16xf32> to vector<1x16xf32>
      tpu.vector_store %arg10[%swap3A_476, %swap3A_477], %swap3A_480 {strides = array<i32>} : memref<256x128xf32, #tpu.memory_space<vmem>>, vector<1x16xf32>,
      %get3A_481 = arith.index_cast %scan3A_431 : i32 to index
      %get3A_482 = arith.constant 80 : index
      %get3A_483 = tpu.vector_load %arg10[%get3A_481, %get3A_482] {strides = array<i32>} : memref<256x128xf32, #tpu.memory_space<vmem>>, vector<1x16xf32>,
      %get3A_484 = vector.shape_cast %get3A_483 : vector<1x16xf32> to vector<16xf32>
      %add3A_485 = arith.addf %get3A_484, %get3A_414 : vector<16xf32>
      %swap3A_486 = arith.index_cast %scan3A_431 : i32 to index
      %swap3A_487 = arith.constant 80 : index
      %swap3A_488 = tpu.vector_load %arg10[%swap3A_486, %swap3A_487] {strides = array<i32>} : memref<256x128xf32, #tpu.memory_space<vmem>>, vector<1x16xf32>,
      %swap3A_489 = vector.shape_cast %swap3A_488 : vector<1x16xf32> to vector<16xf32>
      %swap3A_490 = vector.shape_cast %add3A_485 : vector<16xf32> to vector<1x16xf32>
      tpu.vector_store %arg10[%swap3A_486, %swap3A_487], %swap3A_490 {strides = array<i32>} : memref<256x128xf32, #tpu.memory_space<vmem>>, vector<1x16xf32>,
      %get3A_491 = arith.index_cast %scan3A_431 : i32 to index
      %get3A_492 = arith.constant 96 : index
      %get3A_493 = tpu.vector_load %arg10[%get3A_491, %get3A_492] {strides = array<i32>} : memref<256x128xf32, #tpu.memory_space<vmem>>, vector<1x16xf32>,
      %get3A_494 = vector.shape_cast %get3A_493 : vector<1x16xf32> to vector<16xf32>
      %add3A_495 = arith.addf %get3A_494, %get3A_418 : vector<16xf32>
      %swap3A_496 = arith.index_cast %scan3A_431 : i32 to index
      %swap3A_497 = arith.constant 96 : index
      %swap3A_498 = tpu.vector_load %arg10[%swap3A_496, %swap3A_497] {strides = array<i32>} : memref<256x128xf32, #tpu.memory_space<vmem>>, vector<1x16xf32>,
      %swap3A_499 = vector.shape_cast %swap3A_498 : vector<1x16xf32> to vector<16xf32>
      %swap3A_500 = vector.shape_cast %add3A_495 : vector<16xf32> to vector<1x16xf32>
      tpu.vector_store %arg10[%swap3A_496, %swap3A_497], %swap3A_500 {strides = array<i32>} : memref<256x128xf32, #tpu.memory_space<vmem>>, vector<1x16xf32>,
      %get3A_501 = arith.index_cast %scan3A_431 : i32 to index
      %get3A_502 = arith.constant 112 : index
      %get3A_503 = tpu.vector_load %arg10[%get3A_501, %get3A_502] {strides = array<i32>} : memref<256x128xf32, #tpu.memory_space<vmem>>, vector<1x16xf32>,
      %get3A_504 = vector.shape_cast %get3A_503 : vector<1x16xf32> to vector<16xf32>
      %add3A_505 = arith.addf %get3A_504, %get3A_422 : vector<16xf32>
      %swap3A_506 = arith.index_cast %scan3A_431 : i32 to index
      %swap3A_507 = arith.constant 112 : index
      %swap3A_508 = tpu.vector_load %arg10[%swap3A_506, %swap3A_507] {strides = array<i32>} : memref<256x128xf32, #tpu.memory_space<vmem>>, vector<1x16xf32>,
      %swap3A_509 = vector.shape_cast %swap3A_508 : vector<1x16xf32> to vector<16xf32>
      %swap3A_510 = vector.shape_cast %add3A_505 : vector<16xf32> to vector<1x16xf32>
      tpu.vector_store %arg10[%swap3A_506, %swap3A_507], %swap3A_510 {strides = array<i32>} : memref<256x128xf32, #tpu.memory_space<vmem>>, vector<1x16xf32>,
    }
    %scan3A_428 = arith.constant 256 : i32
    "tpu.region"() ({
      %run_scoped3A = tpu.sem_alloc : memref<!tpu.dma_semaphore, #tpu.memory_space<semaphore_mem>>
      %dma_start3A_431 = arith.constant 0 : i32
      %dma_start3A_432 = arith.constant 0 : i32
      %dma_start3A_433 = tpu.memref_slice %arg5[%add3A_344, %dma_start3A_431, %dma_start3A_432] : memref<156x256x128xf32, #tpu.memory_space<hbm>> -> memref<1x256x128xf32, #tpu.memory_space<hbm>>
      %dma_start3A_434 = tpu.memref_squeeze %dma_start3A_433 : memref<1x256x128xf32, #tpu.memory_space<hbm>> -> memref<256x128xf32, #tpu.memory_space<hbm>>
      %dma_start3A_435 = arith.constant 0 : i32
      %dma_start3A_436 = arith.constant 0 : i32
      %dma_start3A_437 = tpu.memref_slice %arg5[%add3A_344, %dma_start3A_435, %dma_start3A_436] : memref<156x256x128xf32, #tpu.memory_space<hbm>> -> memref<1x256x128xf32, #tpu.memory_space<hbm>>
      %dma_start3A_438 = tpu.memref_squeeze %dma_start3A_437 : memref<1x256x128xf32, #tpu.memory_space<hbm>> -> memref<256x128xf32, #tpu.memory_space<hbm>>
      tpu.enqueue_dma source(%arg10 : memref<256x128xf32, #tpu.memory_space<vmem>>) target(%dma_start3A_438 : memref<256x128xf32, #tpu.memory_space<hbm>>) target_semaphore(%run_scoped3A : memref<!tpu.dma_semaphore, #tpu.memory_space<semaphore_mem>>)
      %dma_wait3A_439 = arith.constant 0 : i32
      %dma_wait3A_440 = arith.constant 0 : i32
      %dma_wait3A_441 = tpu.memref_slice %arg5[%add3A_344, %dma_wait3A_439, %dma_wait3A_440] : memref<156x256x128xf32, #tpu.memory_space<hbm>> -> memref<1x256x128xf32, #tpu.memory_space<hbm>>
      %dma_wait3A_442 = tpu.memref_squeeze %dma_wait3A_441 : memref<1x256x128xf32, #tpu.memory_space<hbm>> -> memref<256x128xf32, #tpu.memory_space<hbm>>
      %dma_wait3A_443 = arith.constant 0 : i32
      %dma_wait3A_444 = arith.constant 0 : i32
      %dma_wait3A_445 = tpu.memref_slice %arg5[%add3A_344, %dma_wait3A_443, %dma_wait3A_444] : memref<156x256x128xf32, #tpu.memory_space<hbm>> -> memref<1x256x128xf32, #tpu.memory_space<hbm>>
      %dma_wait3A_446 = tpu.memref_squeeze %dma_wait3A_445 : memref<1x256x128xf32, #tpu.memory_space<hbm>> -> memref<256x128xf32, #tpu.memory_space<hbm>>
      tpu.wait_dma2 semaphore(%run_scoped3A : memref<!tpu.dma_semaphore, #tpu.memory_space<semaphore_mem>>) src(%arg10 : memref<256x128xf32, #tpu.memory_space<vmem>>) dst(%dma_wait3A_446 : memref<256x128xf32, #tpu.memory_space<hbm>>)
      tpu.yield
    }) : () -> ()
    %lt3A = arith.constant 28 : i32
    %lt3A_429 = arith.cmpi slt, %add3A, %lt3A : i32
    %convert_element_type3A = arith.extui %lt3A_429 : i1 to i32
    %cond3A = arith.constant 0 : i32
    %cond3A_430 = arith.cmpi ne, %convert_element_type3A, %cond3A : i32
    scf.if %cond3A_430 {
      %add3A_431 = arith.constant 128 : i32
      %add3A_432 = arith.addi %add3A_431, %add3A : i32
      %add3A_433 = arith.constant 44 : i32
      %add3A_434 = arith.addi %add3A_433, %add3A_432 : i32
      "tpu.region"() ({
        %run_scoped3A = tpu.sem_alloc : memref<!tpu.dma_semaphore, #tpu.memory_space<semaphore_mem>>
        %dma_start3A_541 = arith.constant 0 : i32
        %dma_start3A_542 = arith.constant 0 : i32
        %dma_start3A_543 = tpu.memref_slice %arg4[%add3A_434, %dma_start3A_541, %dma_start3A_542] : memref<200x2x128xi32, #tpu.memory_space<hbm>> -> memref<1x2x128xi32, #tpu.memory_space<hbm>>
        %dma_start3A_544 = tpu.memref_squeeze %dma_start3A_543 : memref<1x2x128xi32, #tpu.memory_space<hbm>> -> memref<2x128xi32, #tpu.memory_space<hbm>>
        %dma_start3A_545 = arith.constant 0 : i32
        %dma_start3A_546 = arith.constant 0 : i32
        %dma_start3A_547 = tpu.memref_slice %arg4[%add3A_434, %dma_start3A_545, %dma_start3A_546] : memref<200x2x128xi32, #tpu.memory_space<hbm>> -> memref<1x2x128xi32, #tpu.memory_space<hbm>>
        %dma_start3A_548 = tpu.memref_squeeze %dma_start3A_547 : memref<1x2x128xi32, #tpu.memory_space<hbm>> -> memref<2x128xi32, #tpu.memory_space<hbm>>
        tpu.enqueue_dma source(%dma_start3A_548 : memref<2x128xi32, #tpu.memory_space<hbm>>) target(%arg7 : memref<2x128xi32, #tpu.memory_space<vmem>>) target_semaphore(%run_scoped3A : memref<!tpu.dma_semaphore, #tpu.memory_space<semaphore_mem>>)
        %dma_wait3A_549 = arith.constant 0 : i32
        %dma_wait3A_550 = arith.constant 0 : i32
        %dma_wait3A_551 = tpu.memref_slice %arg4[%add3A_434, %dma_wait3A_549, %dma_wait3A_550] : memref<200x2x128xi32, #tpu.memory_space<hbm>> -> memref<1x2x128xi32, #tpu.memory_space<hbm>>
        %dma_wait3A_552 = tpu.memref_squeeze %dma_wait3A_551 : memref<1x2x128xi32, #tpu.memory_space<hbm>> -> memref<2x128xi32, #tpu.memory_space<hbm>>
        %dma_wait3A_553 = arith.constant 0 : i32
        %dma_wait3A_554 = arith.constant 0 : i32
        %dma_wait3A_555 = tpu.memref_slice %arg4[%add3A_434, %dma_wait3A_553, %dma_wait3A_554] : memref<200x2x128xi32, #tpu.memory_space<hbm>> -> memref<1x2x128xi32, #tpu.memory_space<hbm>>
        %dma_wait3A_556 = tpu.memref_squeeze %dma_wait3A_555 : memref<1x2x128xi32, #tpu.memory_space<hbm>> -> memref<2x128xi32, #tpu.memory_space<hbm>>
        tpu.wait_dma2 semaphore(%run_scoped3A : memref<!tpu.dma_semaphore, #tpu.memory_space<semaphore_mem>>) src(%dma_wait3A_556 : memref<2x128xi32, #tpu.memory_space<hbm>>) dst(%arg7 : memref<2x128xi32, #tpu.memory_space<vmem>>)
        tpu.yield
      }) : () -> ()
      %dma_start3A_435 = arith.constant 0 : i32
      %dma_start3A_436 = arith.constant 0 : i32
      %dma_start3A_437 = arith.constant 0 : i32
      %dma_start3A_438 = tpu.memref_slice %arg9[%dma_start3A_436, %dma_start3A_437] : memref<256x128xf32, #tpu.memory_space<vmem>> -> memref<128x128xf32, #tpu.memory_space<vmem>>
      %dma_start3A_439 = arith.constant 0 : i32
      %dma_start3A_440 = tpu.memref_slice %arg7[%dma_start3A_435, %dma_start3A_439] : memref<2x128xi32, #tpu.memory_space<vmem>> -> memref<1x128xi32, #tpu.memory_space<vmem>>
      %dma_start3A_441 = tpu.memref_squeeze %dma_start3A_440 : memref<1x128xi32, #tpu.memory_space<vmem>> -> memref<128xi32, #tpu.memory_space<vmem>>
      %dma_start3A_442 = arith.constant 0 : i32
      %dma_start3A_443 = arith.constant 0 : i32
      %dma_start3A_444 = tpu.memref_slice %arg2[%dma_start3A_442, %dma_start3A_443] : memref<1000x128xf32, #tpu.memory_space<hbm>> -> memref<1000x128xf32, #tpu.memory_space<hbm>>
      tpu.enqueue_indirect_dma source(%dma_start3A_444 : memref<1000x128xf32, #tpu.memory_space<hbm>>) target(%dma_start3A_438 : memref<128x128xf32, #tpu.memory_space<vmem>>) offsets(%dma_start3A_441 : memref<128xi32, #tpu.memory_space<vmem>>) semaphore(%arg11 : memref<!tpu.dma_semaphore, #tpu.memory_space<semaphore_mem>>)
      %dma_start3A_445 = arith.constant 1 : i32
      %dma_start3A_446 = arith.constant 128 : i32
      %dma_start3A_447 = arith.constant 0 : i32
      %dma_start3A_448 = tpu.memref_slice %arg9[%dma_start3A_446, %dma_start3A_447] : memref<256x128xf32, #tpu.memory_space<vmem>> -> memref<128x128xf32, #tpu.memory_space<vmem>>
      %dma_start3A_449 = arith.constant 0 : i32
      %dma_start3A_450 = tpu.memref_slice %arg7[%dma_start3A_445, %dma_start3A_449] : memref<2x128xi32, #tpu.memory_space<vmem>> -> memref<1x128xi32, #tpu.memory_space<vmem>>
      %dma_start3A_451 = tpu.memref_squeeze %dma_start3A_450 : memref<1x128xi32, #tpu.memory_space<vmem>> -> memref<128xi32, #tpu.memory_space<vmem>>
      %dma_start3A_452 = arith.constant 0 : i32
      %dma_start3A_453 = arith.constant 0 : i32
      %dma_start3A_454 = tpu.memref_slice %arg2[%dma_start3A_452, %dma_start3A_453] : memref<1000x128xf32, #tpu.memory_space<hbm>> -> memref<1000x128xf32, #tpu.memory_space<hbm>>
      tpu.enqueue_indirect_dma source(%dma_start3A_454 : memref<1000x128xf32, #tpu.memory_space<hbm>>) target(%dma_start3A_448 : memref<128x128xf32, #tpu.memory_space<vmem>>) offsets(%dma_start3A_451 : memref<128xi32, #tpu.memory_space<vmem>>) semaphore(%arg11 : memref<!tpu.dma_semaphore, #tpu.memory_space<semaphore_mem>>)
      %add3A_455 = arith.constant 128 : i32
      %add3A_456 = arith.addi %add3A_455, %add3A : i32
      %add3A_457 = arith.constant 44 : i32
      %add3A_458 = arith.addi %add3A_457, %add3A_456 : i32
      %jit3A_459 = arith.constant 4 : i32
      %div3A_460 = arith.divsi %add3A_458, %jit3A_459 : i32
      %sign3A_461 = arith.constant 0 : i32
      %sign3A_462 = arith.cmpi sgt, %add3A_458, %sign3A_461 : i32
      %sign3A_463 = arith.extui %sign3A_462 : i1 to i32
      %sign3A_464 = arith.constant 0 : i32
      %sign3A_465 = arith.cmpi slt, %add3A_458, %sign3A_464 : i32
      %sign3A_466 = arith.extui %sign3A_465 : i1 to i32
      %sign3A_467 = arith.subi %sign3A_463, %sign3A_466 : i32
      %sign3A_468 = arith.constant 0 : i32
      %sign3A_469 = arith.cmpi sgt, %jit3A_459, %sign3A_468 : i32
      %sign3A_470 = arith.extui %sign3A_469 : i1 to i32
      %sign3A_471 = arith.constant 0 : i32
      %sign3A_472 = arith.cmpi slt, %jit3A_459, %sign3A_471 : i32
      %sign3A_473 = arith.extui %sign3A_472 : i1 to i32
      %sign3A_474 = arith.subi %sign3A_470, %sign3A_473 : i32
      %ne3A_475 = arith.cmpi ne, %sign3A_467, %sign3A_474 : i32
      %rem3A_476 = arith.remsi %add3A_458, %jit3A_459 : i32
      %ne3A_477 = arith.constant 0 : i32
      %ne3A_478 = arith.cmpi ne, %rem3A_476, %ne3A_477 : i32
      %and3A_479 = arith.andi %ne3A_475, %ne3A_478 : i1
      %sub3A_480 = arith.constant 1 : i32
      %sub3A_481 = arith.subi %div3A_460, %sub3A_480 : i32
      %select_n3A_482 = arith.select %and3A_479, %sub3A_481, %div3A_460 : i32
      %dma_wait3A_483 = arith.constant 0 : i32
      %dma_wait3A_484 = arith.constant 0 : i32
      %dma_wait3A_485 = arith.constant 0 : i32
      %dma_wait3A_486 = tpu.memref_slice %arg9[%dma_wait3A_484, %dma_wait3A_485] : memref<256x128xf32, #tpu.memory_space<vmem>> -> memref<128x128xf32, #tpu.memory_space<vmem>>
      %dma_wait3A_487 = arith.constant 0 : i32
      %dma_wait3A_488 = tpu.memref_slice %arg7[%dma_wait3A_483, %dma_wait3A_487] : memref<2x128xi32, #tpu.memory_space<vmem>> -> memref<1x128xi32, #tpu.memory_space<vmem>>
      %dma_wait3A_489 = tpu.memref_squeeze %dma_wait3A_488 : memref<1x128xi32, #tpu.memory_space<vmem>> -> memref<128xi32, #tpu.memory_space<vmem>>
      %dma_wait3A_490 = arith.constant 0 : i32
      %dma_wait3A_491 = arith.constant 0 : i32
      %dma_wait3A_492 = tpu.memref_slice %arg2[%dma_wait3A_490, %dma_wait3A_491] : memref<1000x128xf32, #tpu.memory_space<hbm>> -> memref<1000x128xf32, #tpu.memory_space<hbm>>
      tpu.wait_indirect_dma semaphore(%arg11 : memref<!tpu.dma_semaphore, #tpu.memory_space<semaphore_mem>>) src(%dma_wait3A_492 : memref<1000x128xf32, #tpu.memory_space<hbm>>) dst(%dma_wait3A_486 : memref<128x128xf32, #tpu.memory_space<vmem>>)
      %dma_wait3A_493 = arith.constant 1 : i32
      %dma_wait3A_494 = arith.constant 128 : i32
      %dma_wait3A_495 = arith.constant 0 : i32
      %dma_wait3A_496 = tpu.memref_slice %arg9[%dma_wait3A_494, %dma_wait3A_495] : memref<256x128xf32, #tpu.memory_space<vmem>> -> memref<128x128xf32, #tpu.memory_space<vmem>>
      %dma_wait3A_497 = arith.constant 0 : i32
      %dma_wait3A_498 = tpu.memref_slice %arg7[%dma_wait3A_493, %dma_wait3A_497] : memref<2x128xi32, #tpu.memory_space<vmem>> -> memref<1x128xi32, #tpu.memory_space<vmem>>
      %dma_wait3A_499 = tpu.memref_squeeze %dma_wait3A_498 : memref<1x128xi32, #tpu.memory_space<vmem>> -> memref<128xi32, #tpu.memory_space<vmem>>
      %dma_wait3A_500 = arith.constant 0 : i32
      %dma_wait3A_501 = arith.constant 0 : i32
      %dma_wait3A_502 = tpu.memref_slice %arg2[%dma_wait3A_500, %dma_wait3A_501] : memref<1000x128xf32, #tpu.memory_space<hbm>> -> memref<1000x128xf32, #tpu.memory_space<hbm>>
      tpu.wait_indirect_dma semaphore(%arg11 : memref<!tpu.dma_semaphore, #tpu.memory_space<semaphore_mem>>) src(%dma_wait3A_502 : memref<1000x128xf32, #tpu.memory_space<hbm>>) dst(%dma_wait3A_496 : memref<128x128xf32, #tpu.memory_space<vmem>>)
      %get3A_503 = arith.index_cast %select_n3A_482 : i32 to index
      %get3A_504 = arith.constant 0 : index
      %get3A_505 = tpu.vector_load %arg6[%get3A_503, %get3A_504] {strides = array<i32>} : memref<50x128xf32, #tpu.memory_space<vmem>>, vector<1x16xf32>,
      %get3A_506 = vector.shape_cast %get3A_505 : vector<1x16xf32> to vector<16xf32>
      %get3A_507 = arith.index_cast %select_n3A_482 : i32 to index
      %get3A_508 = arith.constant 16 : index
      %get3A_509 = tpu.vector_load %arg6[%get3A_507, %get3A_508] {strides = array<i32>} : memref<50x128xf32, #tpu.memory_space<vmem>>, vector<1x16xf32>,
      %get3A_510 = vector.shape_cast %get3A_509 : vector<1x16xf32> to vector<16xf32>
      %get3A_511 = arith.index_cast %select_n3A_482 : i32 to index
      %get3A_512 = arith.constant 32 : index
      %get3A_513 = tpu.vector_load %arg6[%get3A_511, %get3A_512] {strides = array<i32>} : memref<50x128xf32, #tpu.memory_space<vmem>>, vector<1x16xf32>,
      %get3A_514 = vector.shape_cast %get3A_513 : vector<1x16xf32> to vector<16xf32>
      %get3A_515 = arith.index_cast %select_n3A_482 : i32 to index
      %get3A_516 = arith.constant 48 : index
      %get3A_517 = tpu.vector_load %arg6[%get3A_515, %get3A_516] {strides = array<i32>} : memref<50x128xf32, #tpu.memory_space<vmem>>, vector<1x16xf32>,
      %get3A_518 = vector.shape_cast %get3A_517 : vector<1x16xf32> to vector<16xf32>
      %get3A_519 = arith.index_cast %select_n3A_482 : i32 to index
      %get3A_520 = arith.constant 64 : index
      %get3A_521 = tpu.vector_load %arg6[%get3A_519, %get3A_520] {strides = array<i32>} : memref<50x128xf32, #tpu.memory_space<vmem>>, vector<1x16xf32>,
      %get3A_522 = vector.shape_cast %get3A_521 : vector<1x16xf32> to vector<16xf32>
      %get3A_523 = arith.index_cast %select_n3A_482 : i32 to index
      %get3A_524 = arith.constant 80 : index
      %get3A_525 = tpu.vector_load %arg6[%get3A_523, %get3A_524] {strides = array<i32>} : memref<50x128xf32, #tpu.memory_space<vmem>>, vector<1x16xf32>,
      %get3A_526 = vector.shape_cast %get3A_525 : vector<1x16xf32> to vector<16xf32>
      %get3A_527 = arith.index_cast %select_n3A_482 : i32 to index
      %get3A_528 = arith.constant 96 : index
      %get3A_529 = tpu.vector_load %arg6[%get3A_527, %get3A_528] {strides = array<i32>} : memref<50x128xf32, #tpu.memory_space<vmem>>, vector<1x16xf32>,
      %get3A_530 = vector.shape_cast %get3A_529 : vector<1x16xf32> to vector<16xf32>
      %get3A_531 = arith.index_cast %select_n3A_482 : i32 to index
      %get3A_532 = arith.constant 112 : index
      %get3A_533 = tpu.vector_load %arg6[%get3A_531, %get3A_532] {strides = array<i32>} : memref<50x128xf32, #tpu.memory_space<vmem>>, vector<1x16xf32>,
      %get3A_534 = vector.shape_cast %get3A_533 : vector<1x16xf32> to vector<16xf32>
      %scan3A_535 = arith.constant 0 : i32
      %scan3A_536 = arith.constant 0 : i32
      %scan3A_537 = arith.constant 256 : i32
      %scan3A_538 = arith.addi %scan3A_536, %scan3A_537 : i32
      %scan3A_539 = arith.constant 1 : i32
      scf.for %scan3A_541 = %scan3A_536 to %scan3A_538 step %scan3A_539  : i32 {
        %get3A_542 = arith.index_cast %scan3A_541 : i32 to index
        %get3A_543 = arith.constant 0 : index
        %get3A_544 = tpu.vector_load %arg9[%get3A_542, %get3A_543] {strides = array<i32>} : memref<256x128xf32, #tpu.memory_space<vmem>>, vector<1x16xf32>,
        %get3A_545 = vector.shape_cast %get3A_544 : vector<1x16xf32> to vector<16xf32>
        %add3A_546 = arith.addf %get3A_545, %get3A_506 : vector<16xf32>
        %swap3A = arith.index_cast %scan3A_541 : i32 to index
        %swap3A_547 = arith.constant 0 : index
        %swap3A_548 = tpu.vector_load %arg9[%swap3A, %swap3A_547] {strides = array<i32>} : memref<256x128xf32, #tpu.memory_space<vmem>>, vector<1x16xf32>,
        %swap3A_549 = vector.shape_cast %swap3A_548 : vector<1x16xf32> to vector<16xf32>
        %swap3A_550 = vector.shape_cast %add3A_546 : vector<16xf32> to vector<1x16xf32>
        tpu.vector_store %arg9[%swap3A, %swap3A_547], %swap3A_550 {strides = array<i32>} : memref<256x128xf32, #tpu.memory_space<vmem>>, vector<1x16xf32>,
        %get3A_551 = arith.index_cast %scan3A_541 : i32 to index
        %get3A_552 = arith.constant 16 : index
        %get3A_553 = tpu.vector_load %arg9[%get3A_551, %get3A_552] {strides = array<i32>} : memref<256x128xf32, #tpu.memory_space<vmem>>, vector<1x16xf32>,
        %get3A_554 = vector.shape_cast %get3A_553 : vector<1x16xf32> to vector<16xf32>
        %add3A_555 = arith.addf %get3A_554, %get3A_510 : vector<16xf32>
        %swap3A_556 = arith.index_cast %scan3A_541 : i32 to index
        %swap3A_557 = arith.constant 16 : index
        %swap3A_558 = tpu.vector_load %arg9[%swap3A_556, %swap3A_557] {strides = array<i32>} : memref<256x128xf32, #tpu.memory_space<vmem>>, vector<1x16xf32>,
        %swap3A_559 = vector.shape_cast %swap3A_558 : vector<1x16xf32> to vector<16xf32>
        %swap3A_560 = vector.shape_cast %add3A_555 : vector<16xf32> to vector<1x16xf32>
        tpu.vector_store %arg9[%swap3A_556, %swap3A_557], %swap3A_560 {strides = array<i32>} : memref<256x128xf32, #tpu.memory_space<vmem>>, vector<1x16xf32>,
        %get3A_561 = arith.index_cast %scan3A_541 : i32 to index
        %get3A_562 = arith.constant 32 : index
        %get3A_563 = tpu.vector_load %arg9[%get3A_561, %get3A_562] {strides = array<i32>} : memref<256x128xf32, #tpu.memory_space<vmem>>, vector<1x16xf32>,
        %get3A_564 = vector.shape_cast %get3A_563 : vector<1x16xf32> to vector<16xf32>
        %add3A_565 = arith.addf %get3A_564, %get3A_514 : vector<16xf32>
        %swap3A_566 = arith.index_cast %scan3A_541 : i32 to index
        %swap3A_567 = arith.constant 32 : index
        %swap3A_568 = tpu.vector_load %arg9[%swap3A_566, %swap3A_567] {strides = array<i32>} : memref<256x128xf32, #tpu.memory_space<vmem>>, vector<1x16xf32>,
        %swap3A_569 = vector.shape_cast %swap3A_568 : vector<1x16xf32> to vector<16xf32>
        %swap3A_570 = vector.shape_cast %add3A_565 : vector<16xf32> to vector<1x16xf32>
        tpu.vector_store %arg9[%swap3A_566, %swap3A_567], %swap3A_570 {strides = array<i32>} : memref<256x128xf32, #tpu.memory_space<vmem>>, vector<1x16xf32>,
        %get3A_571 = arith.index_cast %scan3A_541 : i32 to index
        %get3A_572 = arith.constant 48 : index
        %get3A_573 = tpu.vector_load %arg9[%get3A_571, %get3A_572] {strides = array<i32>} : memref<256x128xf32, #tpu.memory_space<vmem>>, vector<1x16xf32>,
        %get3A_574 = vector.shape_cast %get3A_573 : vector<1x16xf32> to vector<16xf32>
        %add3A_575 = arith.addf %get3A_574, %get3A_518 : vector<16xf32>
        %swap3A_576 = arith.index_cast %scan3A_541 : i32 to index
        %swap3A_577 = arith.constant 48 : index
        %swap3A_578 = tpu.vector_load %arg9[%swap3A_576, %swap3A_577] {strides = array<i32>} : memref<256x128xf32, #tpu.memory_space<vmem>>, vector<1x16xf32>,
        %swap3A_579 = vector.shape_cast %swap3A_578 : vector<1x16xf32> to vector<16xf32>
        %swap3A_580 = vector.shape_cast %add3A_575 : vector<16xf32> to vector<1x16xf32>
        tpu.vector_store %arg9[%swap3A_576, %swap3A_577], %swap3A_580 {strides = array<i32>} : memref<256x128xf32, #tpu.memory_space<vmem>>, vector<1x16xf32>,
        %get3A_581 = arith.index_cast %scan3A_541 : i32 to index
        %get3A_582 = arith.constant 64 : index
        %get3A_583 = tpu.vector_load %arg9[%get3A_581, %get3A_582] {strides = array<i32>} : memref<256x128xf32, #tpu.memory_space<vmem>>, vector<1x16xf32>,
        %get3A_584 = vector.shape_cast %get3A_583 : vector<1x16xf32> to vector<16xf32>
        %add3A_585 = arith.addf %get3A_584, %get3A_522 : vector<16xf32>
        %swap3A_586 = arith.index_cast %scan3A_541 : i32 to index
        %swap3A_587 = arith.constant 64 : index
        %swap3A_588 = tpu.vector_load %arg9[%swap3A_586, %swap3A_587] {strides = array<i32>} : memref<256x128xf32, #tpu.memory_space<vmem>>, vector<1x16xf32>,
        %swap3A_589 = vector.shape_cast %swap3A_588 : vector<1x16xf32> to vector<16xf32>
        %swap3A_590 = vector.shape_cast %add3A_585 : vector<16xf32> to vector<1x16xf32>
        tpu.vector_store %arg9[%swap3A_586, %swap3A_587], %swap3A_590 {strides = array<i32>} : memref<256x128xf32, #tpu.memory_space<vmem>>, vector<1x16xf32>,
        %get3A_591 = arith.index_cast %scan3A_541 : i32 to index
        %get3A_592 = arith.constant 80 : index
        %get3A_593 = tpu.vector_load %arg9[%get3A_591, %get3A_592] {strides = array<i32>} : memref<256x128xf32, #tpu.memory_space<vmem>>, vector<1x16xf32>,
        %get3A_594 = vector.shape_cast %get3A_593 : vector<1x16xf32> to vector<16xf32>
        %add3A_595 = arith.addf %get3A_594, %get3A_526 : vector<16xf32>
        %swap3A_596 = arith.index_cast %scan3A_541 : i32 to index
        %swap3A_597 = arith.constant 80 : index
        %swap3A_598 = tpu.vector_load %arg9[%swap3A_596, %swap3A_597] {strides = array<i32>} : memref<256x128xf32, #tpu.memory_space<vmem>>, vector<1x16xf32>,
        %swap3A_599 = vector.shape_cast %swap3A_598 : vector<1x16xf32> to vector<16xf32>
        %swap3A_600 = vector.shape_cast %add3A_595 : vector<16xf32> to vector<1x16xf32>
        tpu.vector_store %arg9[%swap3A_596, %swap3A_597], %swap3A_600 {strides = array<i32>} : memref<256x128xf32, #tpu.memory_space<vmem>>, vector<1x16xf32>,
        %get3A_601 = arith.index_cast %scan3A_541 : i32 to index
        %get3A_602 = arith.constant 96 : index
        %get3A_603 = tpu.vector_load %arg9[%get3A_601, %get3A_602] {strides = array<i32>} : memref<256x128xf32, #tpu.memory_space<vmem>>, vector<1x16xf32>,
        %get3A_604 = vector.shape_cast %get3A_603 : vector<1x16xf32> to vector<16xf32>
        %add3A_605 = arith.addf %get3A_604, %get3A_530 : vector<16xf32>
        %swap3A_606 = arith.index_cast %scan3A_541 : i32 to index
        %swap3A_607 = arith.constant 96 : index
        %swap3A_608 = tpu.vector_load %arg9[%swap3A_606, %swap3A_607] {strides = array<i32>} : memref<256x128xf32, #tpu.memory_space<vmem>>, vector<1x16xf32>,
        %swap3A_609 = vector.shape_cast %swap3A_608 : vector<1x16xf32> to vector<16xf32>
        %swap3A_610 = vector.shape_cast %add3A_605 : vector<16xf32> to vector<1x16xf32>
        tpu.vector_store %arg9[%swap3A_606, %swap3A_607], %swap3A_610 {strides = array<i32>} : memref<256x128xf32, #tpu.memory_space<vmem>>, vector<1x16xf32>,
        %get3A_611 = arith.index_cast %scan3A_541 : i32 to index
        %get3A_612 = arith.constant 112 : index
        %get3A_613 = tpu.vector_load %arg9[%get3A_611, %get3A_612] {strides = array<i32>} : memref<256x128xf32, #tpu.memory_space<vmem>>, vector<1x16xf32>,
        %get3A_614 = vector.shape_cast %get3A_613 : vector<1x16xf32> to vector<16xf32>
        %add3A_615 = arith.addf %get3A_614, %get3A_534 : vector<16xf32>
        %swap3A_616 = arith.index_cast %scan3A_541 : i32 to index
        %swap3A_617 = arith.constant 112 : index
        %swap3A_618 = tpu.vector_load %arg9[%swap3A_616, %swap3A_617] {strides = array<i32>} : memref<256x128xf32, #tpu.memory_space<vmem>>, vector<1x16xf32>,
        %swap3A_619 = vector.shape_cast %swap3A_618 : vector<1x16xf32> to vector<16xf32>
        %swap3A_620 = vector.shape_cast %add3A_615 : vector<16xf32> to vector<1x16xf32>
        tpu.vector_store %arg9[%swap3A_616, %swap3A_617], %swap3A_620 {strides = array<i32>} : memref<256x128xf32, #tpu.memory_space<vmem>>, vector<1x16xf32>,
      }
      %scan3A_540 = arith.constant 256 : i32
      "tpu.region"() ({
        %run_scoped3A = tpu.sem_alloc : memref<!tpu.dma_semaphore, #tpu.memory_space<semaphore_mem>>
        %dma_start3A_541 = arith.constant 0 : i32
        %dma_start3A_542 = arith.constant 0 : i32
        %dma_start3A_543 = tpu.memref_slice %arg5[%add3A_456, %dma_start3A_541, %dma_start3A_542] : memref<156x256x128xf32, #tpu.memory_space<hbm>> -> memref<1x256x128xf32, #tpu.memory_space<hbm>>
        %dma_start3A_544 = tpu.memref_squeeze %dma_start3A_543 : memref<1x256x128xf32, #tpu.memory_space<hbm>> -> memref<256x128xf32, #tpu.memory_space<hbm>>
        %dma_start3A_545 = arith.constant 0 : i32
        %dma_start3A_546 = arith.constant 0 : i32
        %dma_start3A_547 = tpu.memref_slice %arg5[%add3A_456, %dma_start3A_545, %dma_start3A_546] : memref<156x256x128xf32, #tpu.memory_space<hbm>> -> memref<1x256x128xf32, #tpu.memory_space<hbm>>
        %dma_start3A_548 = tpu.memref_squeeze %dma_start3A_547 : memref<1x256x128xf32, #tpu.memory_space<hbm>> -> memref<256x128xf32, #tpu.memory_space<hbm>>
        tpu.enqueue_dma source(%arg9 : memref<256x128xf32, #tpu.memory_space<vmem>>) target(%dma_start3A_548 : memref<256x128xf32, #tpu.memory_space<hbm>>) target_semaphore(%run_scoped3A : memref<!tpu.dma_semaphore, #tpu.memory_space<semaphore_mem>>)
        %dma_wait3A_549 = arith.constant 0 : i32
        %dma_wait3A_550 = arith.constant 0 : i32
        %dma_wait3A_551 = tpu.memref_slice %arg5[%add3A_456, %dma_wait3A_549, %dma_wait3A_550] : memref<156x256x128xf32, #tpu.memory_space<hbm>> -> memref<1x256x128xf32, #tpu.memory_space<hbm>>
        %dma_wait3A_552 = tpu.memref_squeeze %dma_wait3A_551 : memref<1x256x128xf32, #tpu.memory_space<hbm>> -> memref<256x128xf32, #tpu.memory_space<hbm>>
        %dma_wait3A_553 = arith.constant 0 : i32
        %dma_wait3A_554 = arith.constant 0 : i32
        %dma_wait3A_555 = tpu.memref_slice %arg5[%add3A_456, %dma_wait3A_553, %dma_wait3A_554] : memref<156x256x128xf32, #tpu.memory_space<hbm>> -> memref<1x256x128xf32, #tpu.memory_space<hbm>>
        %dma_wait3A_556 = tpu.memref_squeeze %dma_wait3A_555 : memref<1x256x128xf32, #tpu.memory_space<hbm>> -> memref<256x128xf32, #tpu.memory_space<hbm>>
        tpu.wait_dma2 semaphore(%run_scoped3A : memref<!tpu.dma_semaphore, #tpu.memory_space<semaphore_mem>>) src(%arg9 : memref<256x128xf32, #tpu.memory_space<vmem>>) dst(%dma_wait3A_556 : memref<256x128xf32, #tpu.memory_space<hbm>>)
        tpu.yield
      }) : () -> ()
    } else {
    }
    return
  }
}

module attributes {stable_mosaic.version = 14 : i64} {
  func.func @_oh_body(%arg0: i32, %arg1: memref<1x1x1024xi32, #tpu.memory_space<vmem>>, %arg2: memref<1000x128xf32, #tpu.memory_space<vmem>>, %arg3: memref<50x128xf32, #tpu.memory_space<vmem>>, %arg4: memref<128x1000xf32, #tpu.memory_space<vmem>>, %arg5: memref<1x1000xf32, #tpu.memory_space<vmem>>, %arg6: memref<1x1000x1024xf32, #tpu.memory_space<vmem>>, %arg7: memref<1000x1000xbf16, #tpu.memory_space<vmem>>, %arg8: memref<50x1000xf32, #tpu.memory_space<vmem>>) attributes {dimension_semantics = [#tpu.dimension_semantics<arbitrary>], iteration_bounds = array<i64: 11>, scalar_prefetch = 0 : i64, scratch_operands = 2 : i64, tpu.core_type = #tpu.core_type<tc>, window_params = [{transform_indices = @transform_0, window_bounds = array<i64: 1, 1, 1024>}, {pipeline_mode = #tpu.pipeline_mode<synchronous>, transform_indices = @transform_1, window_bounds = array<i64: 1000, 128>}, {pipeline_mode = #tpu.pipeline_mode<synchronous>, transform_indices = @transform_2, window_bounds = array<i64: 50, 128>}, {pipeline_mode = #tpu.pipeline_mode<synchronous>, transform_indices = @transform_3, window_bounds = array<i64: 128, 1000>}, {pipeline_mode = #tpu.pipeline_mode<synchronous>, transform_indices = @transform_4, window_bounds = array<i64: 1, 1000>}, {transform_indices = @transform_5, window_bounds = array<i64: 1, 1000, 1024>}]} {
    %eq3A = arith.constant 0 : i32
    %eq3A_0 = arith.cmpi eq, %arg0, %eq3A : i32
    %convert_element_type3A = arith.extui %eq3A_0 : i1 to i32
    %cond3A = arith.constant 0 : i32
    %cond3A_1 = arith.cmpi ne, %convert_element_type3A, %cond3A : i32
    scf.if %cond3A_1 {
      %get3A_25 = arith.constant 0 : index
      %get3A_26 = arith.constant 0 : index
      %get3A_27 = vector.load %arg4[%get3A_25, %get3A_26] : memref<128x1000xf32, #tpu.memory_space<vmem>>, vector<128x1000xf32>
      %convert_element_type3A_28 = arith.truncf %get3A_27 : vector<128x1000xf32> to vector<128x1000xbf16>
      %get3A_29 = arith.constant 0 : index
      %get3A_30 = arith.constant 0 : index
      %get3A_31 = vector.load %arg2[%get3A_29, %get3A_30] : memref<1000x128xf32, #tpu.memory_space<vmem>>, vector<1000x128xf32>
      %convert_element_type3A_32 = arith.truncf %get3A_31 : vector<1000x128xf32> to vector<1000x128xbf16>
      %dot_general3A_33 = arith.constant dense<0.000000e+00> : vector<1000x1000xf32>
      %dot_general3A_34 = tpu.matmul %convert_element_type3A_28, %convert_element_type3A_32, %dot_general3A_33 {dimension_numbers = #tpu.dot_dimension_numbers<[0], [1], [1], [0], [0, 1, 1, 0], [], []>, transpose_lhs_hint = false} : vector<128x1000xbf16>, vector<1000x128xbf16>, vector<1000x1000xf32> -> vector<1000x1000xf32>
      %convert_element_type3A_35 = arith.truncf %dot_general3A_34 : vector<1000x1000xf32> to vector<1000x1000xbf16>
      %swap3A_36 = arith.constant 0 : index
      %swap3A_37 = arith.constant 0 : index
      %swap3A_38 = vector.load %arg7[%swap3A_36, %swap3A_37] : memref<1000x1000xbf16, #tpu.memory_space<vmem>>, vector<1000x1000xbf16>
      tpu.vector_store %arg7[%swap3A_36, %swap3A_37], %convert_element_type3A_35 {strides = array<i32>} : memref<1000x1000xbf16, #tpu.memory_space<vmem>>, vector<1000x1000xbf16>,
      %get3A_39 = arith.constant 0 : index
      %get3A_40 = arith.constant 0 : index
      %get3A_41 = vector.load %arg3[%get3A_39, %get3A_40] : memref<50x128xf32, #tpu.memory_space<vmem>>, vector<50x128xf32>
      %convert_element_type3A_42 = arith.truncf %get3A_41 : vector<50x128xf32> to vector<50x128xbf16>
      %dot_general3A_43 = arith.constant dense<0.000000e+00> : vector<50x1000xf32>
      %dot_general3A_44 = tpu.matmul %convert_element_type3A_42, %convert_element_type3A_28, %dot_general3A_43 {dimension_numbers = #tpu.dot_dimension_numbers<[1], [0], [0], [1], [0, 0, 1, 1], [], []>, transpose_lhs_hint = false} : vector<50x128xbf16>, vector<128x1000xbf16>, vector<50x1000xf32> -> vector<50x1000xf32>
      %get3A_45 = arith.constant 0 : index
      %get3A_46 = arith.constant 0 : index
      %get3A_47 = vector.load %arg5[%get3A_45, %get3A_46] : memref<1x1000xf32, #tpu.memory_space<vmem>>, vector<1x1000xf32>
      %add3A_48 = vector.broadcast %get3A_47 : vector<1x1000xf32> to vector<50x1000xf32>
      %add3A_49 = arith.addf %dot_general3A_44, %add3A_48 : vector<50x1000xf32>
      %swap3A_50 = arith.constant 0 : index
      %swap3A_51 = arith.constant 0 : index
      %swap3A_52 = vector.load %arg8[%swap3A_50, %swap3A_51] : memref<50x1000xf32, #tpu.memory_space<vmem>>, vector<50x1000xf32>
      tpu.vector_store %arg8[%swap3A_50, %swap3A_51], %add3A_49 {strides = array<i32>} : memref<50x1000xf32, #tpu.memory_space<vmem>>, vector<50x1000xf32>,
    } else {
    }
    %get3A = arith.constant 0 : index
    %get3A_2 = arith.constant 0 : index
    %get3A_3 = arith.constant 0 : index
    %get3A_4 = vector.load %arg1[%get3A, %get3A_2, %get3A_3] : memref<1x1x1024xi32, #tpu.memory_space<vmem>>, vector<1x1x1024xi32>
    %get3A_5 = vector.shape_cast %get3A_4 : vector<1x1x1024xi32> to vector<1x1024xi32>
    %transpose3A = tpu.transpose %get3A_5, [1, 0] : vector<1x1024xi32> -> vector<1024x1xi32>
    %iota3A = tpu.iota {dimensions = array<i32: 1>} : vector<1024x1000xi32>
    %eq3A_6 = vector.broadcast %transpose3A : vector<1024x1xi32> to vector<1024x1000xi32>
    %eq3A_7 = arith.cmpi eq, %iota3A, %eq3A_6 : vector<1024x1000xi32>
    %convert_element_type3A_8 = arith.extui %eq3A_7 : vector<1024x1000xi1> to vector<1024x1000xi32>
    %convert_element_type3A_9 = arith.sitofp %convert_element_type3A_8 : vector<1024x1000xi32> to vector<1024x1000xf32>
    %convert_element_type3A_10 = arith.truncf %convert_element_type3A_9 : vector<1024x1000xf32> to vector<1024x1000xbf16>
    %get3A_11 = arith.constant 0 : index
    %get3A_12 = arith.constant 0 : index
    %get3A_13 = vector.load %arg7[%get3A_11, %get3A_12] : memref<1000x1000xbf16, #tpu.memory_space<vmem>>, vector<1000x1000xbf16>
    %dot_general3A = arith.constant dense<0.000000e+00> : vector<1000x1024xf32>
    %dot_general3A_14 = tpu.matmul %get3A_13, %convert_element_type3A_10, %dot_general3A {dimension_numbers = #tpu.dot_dimension_numbers<[1], [1], [0], [0], [0, 0, 1, 0], [], []>, transpose_lhs_hint = false} : vector<1000x1000xbf16>, vector<1024x1000xbf16>, vector<1000x1024xf32> -> vector<1000x1024xf32>
    %get3A_15 = arith.index_cast %arg0 : i32 to index
    %get3A_16 = arith.constant 0 : index
    %get3A_17 = vector.load %arg8[%get3A_15, %get3A_16] : memref<50x1000xf32, #tpu.memory_space<vmem>>, vector<1x1000xf32>
    %transpose3A_18 = tpu.transpose %get3A_17, [1, 0] : vector<1x1000xf32> -> vector<1000x1xf32>
    %add3A = vector.broadcast %transpose3A_18 : vector<1000x1xf32> to vector<1000x1024xf32>
    %add3A_19 = arith.addf %dot_general3A_14, %add3A : vector<1000x1024xf32>
    %swap3A = arith.constant 0 : index
    %swap3A_20 = arith.constant 0 : index
    %swap3A_21 = arith.constant 0 : index
    %swap3A_22 = vector.load %arg6[%swap3A, %swap3A_20, %swap3A_21] : memref<1x1000x1024xf32, #tpu.memory_space<vmem>>, vector<1x1000x1024xf32>
    %swap3A_23 = vector.shape_cast %swap3A_22 : vector<1x1000x1024xf32> to vector<1000x1024xf32>
    %swap3A_24 = vector.shape_cast %add3A_19 : vector<1000x1024xf32> to vector<1x1000x1024xf32>
    tpu.vector_store %arg6[%swap3A, %swap3A_20, %swap3A_21], %swap3A_24 {strides = array<i32>} : memref<1x1000x1024xf32, #tpu.memory_space<vmem>>, vector<1x1000x1024xf32>,
    return
  }
  func.func @transform_0(%arg0: i32) -> (i32, i32, i32) {
    %c0_i32 = arith.constant 0 : i32
    %c0_i32_0 = arith.constant 0 : i32
    %c0_i32_1 = arith.constant 0 : i32
    return %arg0, %c0_i32, %c0_i32_0 : i32, i32, i32
  }
  func.func @transform_1(%arg0: i32) -> (i32, i32) {
    %c0_i32 = arith.constant 0 : i32
    %c0_i32_0 = arith.constant 0 : i32
    %c0_i32_1 = arith.constant 0 : i32
    return %c0_i32, %c0_i32_0 : i32, i32
  }
  func.func @transform_2(%arg0: i32) -> (i32, i32) {
    %c0_i32 = arith.constant 0 : i32
    %c0_i32_0 = arith.constant 0 : i32
    %c0_i32_1 = arith.constant 0 : i32
    return %c0_i32, %c0_i32_0 : i32, i32
  }
  func.func @transform_3(%arg0: i32) -> (i32, i32) {
    %c0_i32 = arith.constant 0 : i32
    %c0_i32_0 = arith.constant 0 : i32
    %c0_i32_1 = arith.constant 0 : i32
    return %c0_i32, %c0_i32_0 : i32, i32
  }
  func.func @transform_4(%arg0: i32) -> (i32, i32) {
    %c0_i32 = arith.constant 0 : i32
    %c0_i32_0 = arith.constant 0 : i32
    %c0_i32_1 = arith.constant 0 : i32
    return %c0_i32, %c0_i32_0 : i32, i32
  }
  func.func @transform_5(%arg0: i32) -> (i32, i32, i32) {
    %c0_i32 = arith.constant 0 : i32
    %c0_i32_0 = arith.constant 0 : i32
    %c0_i32_1 = arith.constant 0 : i32
    return %arg0, %c0_i32, %c0_i32_0 : i32, i32, i32
  }
}

module attributes {stable_mosaic.version = 14 : i64} {
  func.func @_x_body(%arg0: i32, %arg1: memref<1x1024x128xf32, #tpu.memory_space<vmem>>, %arg2: memref<128x1000xf32, #tpu.memory_space<vmem>>, %arg3: memref<1000x1xf32, #tpu.memory_space<vmem>>, %arg4: memref<50x1000x1024xf32, #tpu.memory_space<hbm>>, %arg5: memref<1x1000x1024xf32, #tpu.memory_space<vmem>>) attributes {dimension_semantics = [#tpu.dimension_semantics<arbitrary>], iteration_bounds = array<i64: 39>, scalar_prefetch = 0 : i64, scratch_operands = 0 : i64, tpu.core_type = #tpu.core_type<tc>, window_params = [{transform_indices = @transform_0, window_bounds = array<i64: 1, 1024, 128>}, {pipeline_mode = #tpu.pipeline_mode<synchronous>, transform_indices = @transform_1, window_bounds = array<i64: 128, 1000>}, {pipeline_mode = #tpu.pipeline_mode<synchronous>, transform_indices = @transform_2, window_bounds = array<i64: 1000, 1>}, {}, {transform_indices = @transform_4, window_bounds = array<i64: 1, 1000, 1024>}]} {
    %get3A = arith.constant 0 : index
    %get3A_0 = arith.constant 0 : index
    %get3A_1 = arith.constant 0 : index
    %get3A_2 = vector.load %arg1[%get3A, %get3A_0, %get3A_1] : memref<1x1024x128xf32, #tpu.memory_space<vmem>>, vector<1x1024x128xf32>
    %get3A_3 = vector.shape_cast %get3A_2 : vector<1x1024x128xf32> to vector<1024x128xf32>
    %convert_element_type3A = arith.truncf %get3A_3 : vector<1024x128xf32> to vector<1024x128xbf16>
    %get3A_4 = arith.constant 0 : index
    %get3A_5 = arith.constant 0 : index
    %get3A_6 = vector.load %arg2[%get3A_4, %get3A_5] : memref<128x1000xf32, #tpu.memory_space<vmem>>, vector<128x1000xf32>
    %convert_element_type3A_7 = arith.truncf %get3A_6 : vector<128x1000xf32> to vector<128x1000xbf16>
    %dot_general3A = arith.constant dense<0.000000e+00> : vector<1000x1024xf32>
    %dot_general3A_8 = tpu.matmul %convert_element_type3A_7, %convert_element_type3A, %dot_general3A {dimension_numbers = #tpu.dot_dimension_numbers<[0], [1], [1], [0], [0, 1, 1, 0], [], []>, transpose_lhs_hint = false} : vector<128x1000xbf16>, vector<1024x128xbf16>, vector<1000x1024xf32> -> vector<1000x1024xf32>
    %get3A_9 = arith.constant 0 : index
    %get3A_10 = arith.constant 0 : index
    %get3A_11 = vector.load %arg3[%get3A_9, %get3A_10] : memref<1000x1xf32, #tpu.memory_space<vmem>>, vector<1000x1xf32>
    %add3A = vector.broadcast %get3A_11 : vector<1000x1xf32> to vector<1000x1024xf32>
    %add3A_12 = arith.addf %dot_general3A_8, %add3A : vector<1000x1024xf32>
    %swap3A = arith.constant 0 : index
    %swap3A_13 = arith.constant 0 : index
    %swap3A_14 = arith.constant 0 : index
    %swap3A_15 = vector.load %arg5[%swap3A, %swap3A_13, %swap3A_14] : memref<1x1000x1024xf32, #tpu.memory_space<vmem>>, vector<1x1000x1024xf32>
    %swap3A_16 = vector.shape_cast %swap3A_15 : vector<1x1000x1024xf32> to vector<1000x1024xf32>
    %swap3A_17 = vector.shape_cast %add3A_12 : vector<1000x1024xf32> to vector<1x1000x1024xf32>
    tpu.vector_store %arg5[%swap3A, %swap3A_13, %swap3A_14], %swap3A_17 {strides = array<i32>} : memref<1x1000x1024xf32, #tpu.memory_space<vmem>>, vector<1x1000x1024xf32>,
    return
  }
  func.func @transform_0(%arg0: i32) -> (i32, i32, i32) {
    %c0_i32 = arith.constant 0 : i32
    %c0_i32_0 = arith.constant 0 : i32
    %c0_i32_1 = arith.constant 0 : i32
    return %arg0, %c0_i32, %c0_i32_0 : i32, i32, i32
  }
  func.func @transform_1(%arg0: i32) -> (i32, i32) {
    %c0_i32 = arith.constant 0 : i32
    %c0_i32_0 = arith.constant 0 : i32
    %c0_i32_1 = arith.constant 0 : i32
    return %c0_i32, %c0_i32_0 : i32, i32
  }
  func.func @transform_2(%arg0: i32) -> (i32, i32) {
    %c0_i32 = arith.constant 0 : i32
    %c0_i32_0 = arith.constant 0 : i32
    %c0_i32_1 = arith.constant 0 : i32
    return %c0_i32, %c0_i32_0 : i32, i32
  }
  func.func @transform_4(%arg0: i32) -> (i32, i32, i32) {
    %add3A = arith.constant 11 : i32
    %add3A_0 = arith.addi %arg0, %add3A : i32
    %c0_i32 = arith.constant 0 : i32
    %c0_i32_1 = arith.constant 0 : i32
    %c0_i32_2 = arith.constant 0 : i32
    return %add3A_0, %c0_i32, %c0_i32_1 : i32, i32, i32
  }
}

</mosaic_0001>

<sc_bundles>
// kernel: kernel.5.cloned.1.call-start
scs
__scs_entry_jumppad:
0x0: {  	(pc) =	sbr.rel $0x88, $3  }
0x1: {  	(tag) =	ssettag $0x0;
	lr =	simm.s32 $0x1  }
0x2: {  	[smem:$0x3F9C] =	sst lr;
	_ =	strace $0xD0000000  }
0x3: {  	_ = 	snop  }
0x4: {  	_ = 	snop  }
0x5: {  	_ = 	snop  }
0x6: {  	_ = 	snop  }
0x7: {  	_ = 	snop  }
__scs_overlays_trampoline_lowered:
0x8: {  	[smem:$0x3FAB] =	sst s0  }
0x9: {  	[smem:$0x3FAC] =	sst s1  }
0xa: {  	[smem:$0x3FAD] =	sst s2  }
0xb: {  	[smem:$0x3FAE] =	sst s3  }
0xc: {  	[smem:$0x3FAF] =	sst s4  }
0xd: {  	[smem:$0x3FB0] =	sst s5  }
0xe: {  	[smem:$0x3FB1] =	sst s6  }
0xf: {  	[smem:$0x3FB2] =	sst s7  }
0x10: {  	[smem:$0x3FB3] =	sst s8  }
0x11: {  	[smem:$0x3FB4] =	sst s9;
	s0 =	simm.s32 @!p0 $0x0  }
0x12: {  	s1 =	sld [smem:$0x3F9A];
	s0 =	simm.s32 @p0 $0x1  }
0x13: {  	[smem:$0x3FB5] =	sst s0;
	s0 =	simm.s32 @!p1 $0x0  }
0x14: {  	s2 =	sld [smem:$0x3F99];
	s0 =	simm.s32 @p1 $0x1  }
0x15: {  	[smem:$0x3FB6] =	sst s0;
	s0 =	simm.s32 @!p2 $0x0  }
0x16: {  	s3 =	sld [smem:$0x3FDB];
	s0 =	simm.s32 @p2 $0x1  }
0x17: {  	s4 =	simm.s32 $0x1BF5;
	[smem:$0x3FB8] =	sst s0  }
0x18: {  	s0 =	sld [smem:$0x3F9B];
	_ =	swait.ge [sflag:s4], $0x0  }
0x19: {  	s7 =	sld [smem:$0x3F9C]  }
0x1a: {  	s8 =	sadd.s32 $0xFFFFE003, lr  }
0x1b: {  	s9 =	sadd.s32 $0xFFFFFEF7, lr;
	s5 =	simm.s32 $0xFFFFFFFF;
	p2 =	slt.u32 s8, $0xFFFFF086  }
0x1c: {  	p1 =	slt.u32 s9, $0xF7A;
	s5 =	simm.s32 @!p2 $0x0  }
0x1d: {  	s5 =	simm.s32 @p1 $0x1;
	p0 =	seq.s32 s7, s2  }
0x1e: {  	s7 =	smul.u32 @!p0 $0xF7A, s2;
	p2 =	seq.s32 @!p0 s5, $0x0  }
0x1f: {  	s9 =	smul.u32 $0xF7A, s1;
	s8 =	simm.s32 @!p0 $0x1BF5;
	p2 =	por !p2, p0  }
0x20: {  	[sflag:s8] =	ssyncset.s32 @!p0 $0xFFFFF086;
	s6 =	sadd.s32 @!p0 s3, s7;
	s7 =	simm.s32 @!p0 $0x108  }
0x21: {  	s3 =	sadd.s32 s3, s9;
	s6 =	sadd.s32 @!p0 $0x88, s6;
	s7 =	simm.s32 @p2 $0x1082  }
0x22: {  	[simem:s7], [sflag:s8] =	dma.local @!p0 [hbm:s6], $0xF7A  }
0x23: {  	s9 =	sor.u32 $0xD0000000, s2;
	s6 =	simm.s32 $0x108;
	_ =	swait.ge @!p0 [sflag:s8], $0x0  }
0x24: {  	s3 =	sadd.s32 $0x88, s3;
	s6 =	simm.s32 @!p1 $0x1082;
	[sflag:s4] =	ssyncset.s32 $0xFFFFF086  }
0x25: {  	[simem:s6], [sflag:s4] =	dma.local [hbm:s3], $0xF7A  }
0x26: {  	[smem:$0x3F9C] =	sst s1;
	(tag) =	ssettag s2;
	_ =	strace s9  }
0x27: {  	s1 =	sld [smem:$0x3FAC]  }
0x28: {  	s2 =	sld [smem:$0x3FAD]  }
0x29: {  	s4 =	sld [smem:$0x3FAF]  }
0x2a: {  	p0 =	seq.s32 s5, $0x0;
	s5 =	sld [smem:$0x3FB0]  }
0x2b: {  	s6 =	sld [smem:$0x3FB1]  }
0x2c: {  	s7 =	sld [smem:$0x3FB2]  }
0x2d: {  	s3 =	simm.s32 $0x108;
	s8 =	sld [smem:$0x3FB3]  }
0x2e: {  	s3 =	simm.s32 @!p0 $0x1082;
	s9 =	sld [smem:$0x3FB4]  }
0x2f: {  	lr =	sadd.s32 s0, s3;
	s0 =	sld [smem:$0x3FAB]  }
0x30: {  	s3 =	sld [smem:$0x3FAE]  }
0x31: {  	[smem:$0x3FB7] =	sst s10  }
0x32: {  	s10 =	sld [smem:$0x3FB5];
	_ =	sdelay $0x3  }
0x33: {  	p0 =	seq.s32 s10, $0x1;
	s10 =	sld [smem:$0x3FB7];
	_ =	sdelay $0x3  }
0x34: {  	[smem:$0x3FB7] =	sst s10  }
0x35: {  	s10 =	sld [smem:$0x3FB6];
	_ =	sdelay $0x3  }
0x36: {  	p1 =	seq.s32 s10, $0x1;
	s10 =	sld [smem:$0x3FB7];
	_ =	sdelay $0x3  }
0x37: {  	[smem:$0x3FB7] =	sst s10  }
0x38: {  	s10 =	sld [smem:$0x3FB8]  }
0x39: {  	_ = 	snop;
	(pc) =	sbr.ind lr, $3  }
0x3a: {  	_ = 	snop  }
0x3b: {  	_ = 	snop  }
0x3c: {  	p2 =	seq.s32 s10, $0x1;
	s10 =	sld [smem:$0x3FB7]  }
0x3d: {  	_ =	shalt  }
0x3e: {  	_ =	shalt  }
0x3f: {  	_ =	shalt  }
0x40: {  	_ =	shalt  }
0x41: {  	_ =	shalt  }
0x42: {  	_ =	shalt  }
0x43: {  	_ =	shalt  }
0x44: {  	_ =	shalt  }
0x45: {  	_ =	shalt  }
0x46: {  	_ =	shalt  }
0x47: {  	_ =	shalt  }
0x48: {  	_ =	shalt  }
0x49: {  	_ =	shalt  }
0x4a: {  	_ =	shalt  }
0x4b: {  	_ =	shalt  }
0x4c: {  	_ =	shalt  }
0x4d: {  	_ =	shalt  }
0x4e: {  	_ =	shalt  }
0x4f: {  	_ =	shalt  }
0x50: {  	_ =	shalt  }
0x51: {  	_ =	shalt  }
0x52: {  	_ =	shalt  }
0x53: {  	_ =	shalt  }
0x54: {  	_ =	shalt  }
0x55: {  	_ =	shalt  }
0x56: {  	_ =	shalt  }
0x57: {  	_ =	shalt  }
0x58: {  	_ =	shalt  }
0x59: {  	_ =	shalt  }
0x5a: {  	_ =	shalt  }
0x5b: {  	_ =	shalt  }
0x5c: {  	_ =	shalt  }
0x5d: {  	_ =	shalt  }
0x5e: {  	_ =	shalt  }
0x5f: {  	_ =	shalt  }
0x60: {  	_ =	shalt  }
0x61: {  	_ =	shalt  }
0x62: {  	_ =	shalt  }
0x63: {  	_ =	shalt  }
0x64: {  	_ =	shalt  }
0x65: {  	_ =	shalt  }
0x66: {  	_ =	shalt  }
0x67: {  	_ =	shalt  }
0x68: {  	_ =	shalt  }
0x69: {  	_ =	shalt  }
0x6a: {  	_ =	shalt  }
0x6b: {  	_ =	shalt  }
0x6c: {  	_ =	shalt  }
0x6d: {  	_ =	shalt  }
0x6e: {  	_ =	shalt  }
0x6f: {  	_ =	shalt  }
0x70: {  	_ =	shalt  }
0x71: {  	_ =	shalt  }
0x72: {  	_ =	shalt  }
0x73: {  	_ =	shalt  }
0x74: {  	_ =	shalt  }
0x75: {  	_ =	shalt  }
0x76: {  	_ =	shalt  }
0x77: {  	_ =	shalt  }
0x78: {  	_ =	shalt  }
0x79: {  	_ =	shalt  }
0x7a: {  	_ =	shalt  }
0x7b: {  	_ =	shalt  }
0x7c: {  	_ =	shalt  }
0x7d: {  	_ =	shalt  }
0x7e: {  	_ =	shalt  }
0x7f: {  	_ =	shalt  }
0x80: {  	_ =	shalt  }
0x81: {  	_ =	shalt  }
0x82: {  	_ =	shalt  }
0x83: {  	_ =	shalt  }
0x84: {  	_ =	shalt  }
0x85: {  	_ =	shalt  }
0x86: {  	_ =	shalt  }
0x87: {  	_ =	shalt  }
.Lfunc_end0:
.L_simem_size_0:
called_computation_lowered:
.L_overlay_start_0:
0x88: {  	s2 =	sld [smem:$0x3FD9]  }
0x89: {  	s3 =	sld [smem:$0x3FFE];
	_ =	sdelay $0x1  }
0x8a: {  	s1 =	srdreg.scid  }
0x8b: {  	s0 =	sand.u32 $0x1, s1  }
0x8c: {  	s17 =	sshll.u32 s0, $0xA;
	s2 =	sadd.s32 s3, s2  }
0x8d: {  	s2 =	sadd.s32 s2, s17  }
0x8e: {  	[smem:$0x3FC3] =	sst s2  }
0x8f: {  	_ = 	snop  }
0x90: {  	s2 =	sld [smem:$0x3FC8]  }
0x91: {  	s18 =	sld [smem:$0x3FC7];
	(tm) =	ssettm $0x1  }
0x92: {  	s4 =	sld [smem:$0x3FFB];
	_ =	sdelay $0x3  }
0x93: {  	_ =	strace s4  }
0x94: {  	s4 =	sld [smem:$0x3FFC];
	_ =	sdelay $0x3  }
0x95: {  	_ =	strace s4  }
0x96: {  	s4 =	sld [smem:$0x3FFD];
	_ =	sdelay $0x3  }
0x97: {  	_ =	strace s4  }
0x98: {  	_ =	strace $0x8FFFFFFF  }
0x99: {  	s19 =	sld [smem:$0x3FDB];
	_ =	sdelay $0x1  }
0x9a: {  	s5 =	simm.s32 $_scs_section_size  }
0x9b: {  	s6 =	simm.s32 $_size__tile_overlayer_lowered;
	s7 =	simm.s32 $_tile_overlayer_lowered  }
0x9c: {  	s22 =	simm.s32 $0x1BFF;
	s21 =	sshll.u32 s7, $0x1;
	s4 =	sadd.s32 s5, s19  }
0x9d: {  	s8 =	simm.s32 $0x0;
	s20 =	sshll.u32 s6, $0x1;
	s6 =	sadd.s32 s21, s4  }
0x9e: {  	[timem:s8], [sflag:s22] =	dma.local [hbm:s6], s20  }
0x9f: {  	_ =	swait.ge [sflag:s22], s20  }
0xa0: {  	s5 =	ssub.s32 $0x0, s20;
	[sflag:s22] =	ssyncset.done $0x0  }
0xa1: {  	[sflag:s22] =	ssyncadd.s32 s5;
	_ =	sdelay $0x1  }
0xa2: {  	s23 =	simm.s32 $0x1B8B  }
0xa3: {  	_ =	swait.ge [sflag:s23], $0x1  }
0xa4: {  	[sflag:s23] =	ssyncset.done $0x0  }
0xa5: {  	s25 =	simm.s32 $0x1B8E;
	s24 =	sld [smem:$0x3FFE];
	[sflag:s23] =	ssyncadd.s32 $0xFFFFFFFF  }
0xa6: {  	s26 =	simm.s32 $execute0_lowered;
	[smem:$0x3FD2] =	sst s25  }
0xa7: {  	s6 =	sshll.u32 s26, $0x1;
	_ =	strace $0x80000046;
	[dreg:$0x1] =	wrdreg $0xFFFFFFFF  }
0xa8: {  	s28 =	simm.s32 $_size_execute0_lowered;
	s4 =	sadd.s32 s4, s6;
	[dreg:$0x0] =	wrdreg $0x0  }
0xa9: {  	s6 =	sshll.u32 s28, $0x1;
	[dreg:$0x2] =	wrdreg s4  }
0xaa: {  	[dreg:$0x3] =	wrdreg s6  }
0xab: {  	[dreg:$0x4] =	wrdreg $0xC0  }
0xac: {  	_ =	task [dreg:s8], $0x5FFFF  }
0xad: {  	[dreg:$0x1] =	wrdreg $0xFFFFFFFF  }
0xae: {  	[dreg:$0x0] =	wrdreg $0x60  }
0xaf: {  	[dreg:$0x2] =	wrdreg s2  }
0xb0: {  	[dreg:$0x3] =	wrdreg s18  }
0xb1: {  	[dreg:$0x4] =	wrdreg s24  }
0xb2: {  	[dreg:$0x5] =	wrdreg $0x9  }
0xb3: {  	_ =	task.clear_ibuf [dreg:s8], $0x6FFFF;
	_ =	strace $0x90000046  }
0xb4: {  	s29 =	simm.s32 $0x9;
	_ =	strace $0x80000048  }
0xb5: {  	_ =	swait.ge [sflag:s29], $0x1  }
0xb6: {  	[sflag:s29] =	ssyncadd.s32 $0xFFFFFFFF  }
0xb7: {  	_ =	strace $0x90000048  }
0xb8: {  	_ =	sfence  }
0xb9: {  	s30 =	sld [smem:$0x0];
	_ =	sdelay $0x2  }
0xba: {  	s31 =	sshll.u32 s1, $0xD;
	s1 =	sshrl.u32 s1, $0x2  }
0xbb: {  	s3 =	sand.u32 $0x4000, s31;
	s1 =	sadd.s32 s1, s30  }
0xbc: {  	s0 =	sor.u32 s3, s0;
	s1 =	sshll.u32 s1, $0x11  }
0xbd: {  	s0 =	sor.u32 s1, s0  }
0xbe: {  	s0 =	sadd.s32 $0x8F2B, s0  }
0xbf: {  	[sflag:s0] =	ssyncadd.remote.s32 $0x1  }
0xc0: {  	_ =	sfence.sel $0xFFFF  }
0xc1: {  	[dreg:$0x0] =	wrdreg $0xFFFFFFFF;
	(pc) =	sbr.abs _section_cstart, $3  }
0xc2: {  	[dreg:$0x1] =	wrdreg $0xFFFFFFFF  }
0xc3: {  	_ =	task.clear_ibuf [dreg:s8], $0x2FFFF;
	_ =	strace $0x9FFFFFFF  }
0xc4: {  	(tm) =	ssettm $0x7FFFFFFF  }
0xc5: {  	_ =	shalt  }
tec
execute0_lowered:
.L_overlay_start_1:
0x0: {  	(tag) =	ssettag $0x1  }
0x1: {  	s1 =	rddreg [dreg:$0x0]  }
0x2: {  	s0 =	rddreg [dreg:$0x2];
	s2 =	srdreg.scid  }
0x3: {  	s19 =	stileid.u32;
	s4 =	simm.s32 $0x0;
	s21 =	simm.s32 $0x2  }
0x4: {  	s22 =	simm.s32 $0x1C00;
	s23 =	simm.s32 $0x80;
	s24 =	simm.s32 $0x1E00  }
0x5: {  	s25 =	simm.s32 $0x1C80;
	s28 =	simm.s32 $0x1D00;
	s29 =	simm.s32 $0x9E00  }
0x6: {  	s30 =	simm.s32 $0x1D80;
	s31 =	simm.s32 $0xDE00;
	s2 =	sand.u32 $0x1, s2  }
0x7: {  	s3 =	sshll.u32 s19, $0x1;
	[smem:$0x7FF] =	sst s4;
	s17 =	sadd.s32 $0xC00, s0  }
0x8: {  	p0 =	sgt.u32 s19, $0xD;
	s3 =	sor.u32 s2, s3;
	_ =	strace $0x80000047  }
0x9: {  	s2 =	ssub.s32 $0x2, s2;
	s5 =	sshll.u32 s3, $0xC;
	s3 =	sshll.u32 s3, $0x5  }
0xa: {  	s26 =	sshrl.u32 s2, $0x1;
	s0 =	sadd.s32 s5, s0;
	s7 =	sadd.s32 $0x580, s3  }
0xb: {  	s10 =	sadd.s32 $0x980, s3;
	s2 =	ssub.s32 s2, s26;
	s13 =	sadd.s32 $0xD80, s3  }
0xc: {  	s15 =	sadd.s32 $0x1180, s3;
	s3 =	sadd.s32 $0x1580, s3;
	s26 =	simm.s32 $0x5E00  }
0xd: {  	s5 =	sadd.s32 s17, s7;
	s6 =	sadd.s32 s17, s10;
	s7 =	sand.u32 $0xF80, s7  }
0xe: {  	s8 =	sadd.s32 $0x2600, s0;
	s9 =	sadd.s32 s17, s13;
	s10 =	sand.u32 $0xF80, s10  }
.Ltmp0:
0xf: {  	s11 =	sadd.s32 $0x22600, s0;
	s12 =	sadd.s32 s17, s15;
	(pc) =	sbr.rel .LBB2_1-.Ltmp0, $4  }
0x10: {  	s13 =	sand.u32 $0x1F80, s13;
	s14 =	sadd.s32 $0x42600, s0;
	s15 =	sand.u32 $0x1780, s15  }
0x11: {  	s16 =	sadd.s32 $0x62600, s0;
	s17 =	sadd.s32 s17, s3;
	s18 =	sand.u32 $0x1F80, s3  }
0x12: {  	s0 =	sadd.s32 $0x82600, s0;
	s20 =	smax.u32 s2, $0x1;
	[dreg:$0x4] =	wrdreg s17  }
0x13: {  	s2 =	simm.s32 $0x0;
	[dreg:$0x5] =	wrdreg s0;
	s0 =	simm.s32 $0x1  }
.LBB2_12:
0x14: {  	[tilespmem:s3+$0x1E00] =	vst v14;
	v5 =	vadd.f32 v12, v5;
	v6 =	vld [tilespmem:s3+$0x1E70]  }
0x15: {  	[tilespmem:s3+$0x1E10] =	vst v13;
	v4 =	vadd.f32 v10, v4  }
0x16: {  	v3 =	vadd.f32 v8, v3;
	[tilespmem:s3+$0x1E20] =	vst v5  }
0x17: {  	v2 =	vadd.f32 v9, v2;
	[tilespmem:s3+$0x1E30] =	vst v4  }
0x18: {  	v1 =	vadd.f32 v11, v1;
	[tilespmem:s3+$0x1E40] =	vst v3  }
0x19: {  	[tilespmem:s3+$0x1E50] =	vst v2;
	v0 =	vadd.f32 v6, v0  }
0x1a: {  	[tilespmem:s3+$0x1E60] =	vst v1  }
0x1b: {  	s19 =	rddreg [dreg:$0x5];
	[tilespmem:s3+$0x1E70] =	vst v0  }
0x1c: {  	[hbm4b:s19+s4] =	stream.linear.scatter [tilespmem:s24], [sflag:$0x2], $0x8000, $0x38;
	[tilespmem:$0x11E00] =	vst v63  }
0x1d: {  	_ =	swait.ge [sflag:s21], $0x8000  }
0x1e: {  	[sflag:s21] =	ssyncset.done $0x0  }
0x1f: {  	[sflag:s21] =	ssyncadd.s32 $0xFFFF8000  }
.LBB2_13:
0x20: {  	s2 =	sadd.s32 $0x1, s2  }
0x21: {  	p1 =	sne.s32 s2, s20  }
.Ltmp1:
0x22: {  	_ = 	snop;
	(pc) =	sbr.rel @!p1 .LBB2_14-.Ltmp1, $1  }
0x23: {  	_ =	sdelay $0x3  }
.LBB2_1:
0x24: {  	s3 =	rddreg [dreg:$0x1]  }
0x25: {  	[tilespmem:s4], [sflag:$0x2] =	stream.linear.gather [hbm4b:s3+s4], $0x1900, $0x38;
	[tilespmem:$0x11E00] =	vst v63  }
0x26: {  	_ =	swait.ge [sflag:s21], $0x1900  }
0x27: {  	[sflag:s21] =	ssyncset.done $0x0  }
0x28: {  	[sflag:s21] =	ssyncadd.s32 $0xFFFFE700  }
0x29: {  	[tilespmem:s22], [sflag:$0x2] =	stream.linear.gather [hbm4b:s5+s4], $0x100, $0x38;
	[tilespmem:$0x11E00] =	vst v63  }
0x2a: {  	_ =	swait.ge [sflag:s21], $0x100  }
0x2b: {  	[sflag:s21] =	ssyncset.done $0x0  }
0x2c: {  	[sflag:s21] =	ssyncadd.s32 $0xFFFFFF00  }
0x2d: {  	[tilespmem:s24], [sflag:$0x1] =	stream.indirect.gather [hbm4b:s1+s23], $0x80, s22, s23, $0xb8;
	[tilespmem:$0x11E00] =	vst v63  }
0x2e: {  	_ = 	snop  }
0x2f: {  	[tilespmem:s26], [sflag:$0x1] =	stream.indirect.gather [hbm4b:s1+s23], $0x80, s25, s23, $0xb8;
	[tilespmem:$0x11E00] =	vst v63  }
0x30: {  	_ = 	snop  }
0x31: {  	[tilespmem:s28], [sflag:$0x2] =	stream.linear.gather [hbm4b:s6+s4], $0x100, $0x38;
	[tilespmem:$0x11E00] =	vst v63  }
0x32: {  	_ =	swait.ge [sflag:s21], $0x100  }
0x33: {  	[sflag:s21] =	ssyncset.done $0x0  }
0x34: {  	[sflag:s21] =	ssyncadd.s32 $0xFFFFFF00  }
0x35: {  	[tilespmem:s29], [sflag:$0x1] =	stream.indirect.gather [hbm4b:s1+s23], $0x80, s28, s23, $0xb8;
	[tilespmem:$0x11E00] =	vst v63  }
0x36: {  	_ = 	snop  }
0x37: {  	[tilespmem:s31], [sflag:$0x1] =	stream.indirect.gather [hbm4b:s1+s23], $0x80, s30, s23, $0xb8;
	[tilespmem:$0x11E00] =	vst v63  }
0x38: {  	_ =	swait.ge [sflag:s0], $0x4000  }
0x39: {  	[sflag:s0] =	ssyncset.done $0x0  }
0x3a: {  	[sflag:s0] =	ssyncadd.s32 $0xFFFFC000  }
0x3b: {  	_ =	swait.ge [sflag:s0], $0x4000  }
0x3c: {  	[sflag:s0] =	ssyncset.done $0x0  }
0x3d: {  	[sflag:s0] =	ssyncadd.s32 $0xFFFFC000  }
0x3e: {  	v6 =	vld [tilespmem:s7+$0x0]  }
0x3f: {  	v7 =	vld [tilespmem:s7+$0x10]  }
0x40: {  	v5 =	vld [tilespmem:s7+$0x20]  }
0x41: {  	v4 =	vld [tilespmem:s7+$0x30]  }
0x42: {  	v3 =	vld [tilespmem:s7+$0x40]  }
0x43: {  	v2 =	vld [tilespmem:s7+$0x50]  }
0x44: {  	v1 =	vld [tilespmem:s7+$0x60]  }
0x45: {  	s3 =	simm.s32 $0x0;
	v0 =	vld [tilespmem:s7+$0x70]  }
0x46: {  	v11 =	vld [tilespmem:s3+$0x1E00]  }
0x47: {  	v13 =	vld [tilespmem:s3+$0x1E10]  }
0x48: {  	v12 =	vld [tilespmem:s3+$0x1E20]  }
0x49: {  	v10 =	vld [tilespmem:s3+$0x1E30]  }
0x4a: {  	v8 =	vld [tilespmem:s3+$0x1E40]  }
0x4b: {  	v9 =	vld [tilespmem:s3+$0x1E50];
	v14 =	vadd.f32 v11, v6  }
0x4c: {  	s17 =	simm.s32 $0x200;
	v13 =	vadd.f32 v13, v7;
	v11 =	vld [tilespmem:s3+$0x1E60]  }
.LBB2_2:
0x4d: {  	s19 =	sshra.s32 s17, $0x2;
	p1 =	sne.s32 s17, $0x1FE00;
	[tilespmem:s3+$0x1E00] =	vst v14;
	v12 =	vadd.f32 v12, v5;
	v14 =	vld [tilespmem:s3+$0x1E70]  }
0x4e: {  	v15 =	vld [tilespmem:s19+$0x1E00];
	[tilespmem:s3+$0x1E10] =	vst v13;
	v10 =	vadd.f32 v10, v4  }
0x4f: {  	v13 =	vld [tilespmem:s19+$0x1E10];
	[tilespmem:s3+$0x1E20] =	vst v12;
	v8 =	vadd.f32 v8, v3  }
.Ltmp2:
0x50: {  	v12 =	vld [tilespmem:s19+$0x1E20];
	[tilespmem:s3+$0x1E30] =	vst v10;
	v9 =	vadd.f32 v9, v2;
	(pc) =	sbr.rel @p1 .LBB2_2-.Ltmp2, $4  }
0x51: {  	v10 =	vld [tilespmem:s19+$0x1E30];
	[tilespmem:s3+$0x1E40] =	vst v8;
	v11 =	vadd.f32 v11, v1  }
0x52: {  	v8 =	vld [tilespmem:s19+$0x1E40];
	[tilespmem:s3+$0x1E50] =	vst v9;
	v16 =	vadd.f32 v14, v0  }
0x53: {  	v14 =	vadd.f32 v15, v6;
	v9 =	vld [tilespmem:s19+$0x1E50];
	[tilespmem:s3+$0x1E60] =	vst v11  }
0x54: {  	s17 =	sadd.s32 $0x200, s17;
	v13 =	vadd.f32 v13, v7;
	v11 =	vld [tilespmem:s19+$0x1E60];
	[tilespmem:s3+$0x1E70] =	vst v16;
	s3 =	smov.u32 s19  }
0x55: {  	[tilespmem:s3+$0x1E00] =	vst v14;
	v5 =	vadd.f32 v12, v5;
	v6 =	vld [tilespmem:s3+$0x1E70]  }
0x56: {  	[tilespmem:s3+$0x1E10] =	vst v13;
	v4 =	vadd.f32 v10, v4  }
0x57: {  	[tilespmem:s3+$0x1E20] =	vst v5;
	v3 =	vadd.f32 v8, v3  }
0x58: {  	[tilespmem:s3+$0x1E30] =	vst v4;
	v2 =	vadd.f32 v9, v2  }
0x59: {  	[tilespmem:s3+$0x1E40] =	vst v3;
	v1 =	vadd.f32 v11, v1  }
0x5a: {  	[tilespmem:s3+$0x1E50] =	vst v2;
	v0 =	vadd.f32 v6, v0  }
0x5b: {  	[tilespmem:s3+$0x1E60] =	vst v1  }
0x5c: {  	s19 =	simm.s32 $0x0;
	[tilespmem:s3+$0x1E70] =	vst v0  }
0x5d: {  	[hbm4b:s8+s19] =	stream.linear.scatter [tilespmem:s24], [sflag:$0x2], $0x8000, $0x38;
	[tilespmem:$0x11E00] =	vst v63  }
0x5e: {  	_ =	swait.ge [sflag:s21], $0x8000  }
0x5f: {  	[sflag:s21] =	ssyncset.done $0x0  }
0x60: {  	[sflag:s21] =	ssyncadd.s32 $0xFFFF8000  }
0x61: {  	[tilespmem:s22], [sflag:$0x2] =	stream.linear.gather [hbm4b:s9+s19], $0x100, $0x38;
	[tilespmem:$0x11E00] =	vst v63  }
0x62: {  	_ =	swait.ge [sflag:s21], $0x100  }
0x63: {  	[sflag:s21] =	ssyncset.done $0x0  }
0x64: {  	[sflag:s21] =	ssyncadd.s32 $0xFFFFFF00  }
0x65: {  	[tilespmem:s24], [sflag:$0x1] =	stream.indirect.gather [hbm4b:s1+s23], $0x80, s22, s23, $0xb8;
	[tilespmem:$0x11E00] =	vst v63  }
0x66: {  	_ = 	snop  }
0x67: {  	[tilespmem:s26], [sflag:$0x1] =	stream.indirect.gather [hbm4b:s1+s23], $0x80, s25, s23, $0xb8;
	[tilespmem:$0x11E00] =	vst v63  }
0x68: {  	_ =	swait.ge [sflag:s0], $0x4000  }
0x69: {  	[sflag:s0] =	ssyncset.done $0x0  }
0x6a: {  	[sflag:s0] =	ssyncadd.s32 $0xFFFFC000  }
0x6b: {  	_ =	swait.ge [sflag:s0], $0x4000  }
0x6c: {  	[sflag:s0] =	ssyncset.done $0x0  }
0x6d: {  	[sflag:s0] =	ssyncadd.s32 $0xFFFFC000  }
0x6e: {  	v6 =	vld [tilespmem:s10+$0x0]  }
0x6f: {  	v7 =	vld [tilespmem:s10+$0x10]  }
0x70: {  	v5 =	vld [tilespmem:s10+$0x20]  }
0x71: {  	v4 =	vld [tilespmem:s10+$0x30]  }
0x72: {  	v3 =	vld [tilespmem:s10+$0x40]  }
0x73: {  	v2 =	vld [tilespmem:s10+$0x50]  }
0x74: {  	v1 =	vld [tilespmem:s10+$0x60]  }
0x75: {  	s3 =	simm.s32 $0x0;
	v0 =	vld [tilespmem:s10+$0x70]  }
0x76: {  	v11 =	vld [tilespmem:s3+$0x9E00]  }
0x77: {  	v13 =	vld [tilespmem:s3+$0x9E10]  }
0x78: {  	v12 =	vld [tilespmem:s3+$0x9E20]  }
0x79: {  	v10 =	vld [tilespmem:s3+$0x9E30]  }
0x7a: {  	v8 =	vld [tilespmem:s3+$0x9E40]  }
0x7b: {  	v9 =	vld [tilespmem:s3+$0x9E50];
	v14 =	vadd.f32 v11, v6  }
0x7c: {  	s17 =	simm.s32 $0x200;
	v13 =	vadd.f32 v13, v7;
	v11 =	vld [tilespmem:s3+$0x9E60]  }
.LBB2_4:
0x7d: {  	s19 =	sshra.s32 s17, $0x2;
	p1 =	sne.s32 s17, $0x1FE00;
	[tilespmem:s3+$0x9E00] =	vst v14;
	v12 =	vadd.f32 v12, v5;
	v14 =	vld [tilespmem:s3+$0x9E70]  }
0x7e: {  	v15 =	vld [tilespmem:s19+$0x9E00];
	[tilespmem:s3+$0x9E10] =	vst v13;
	v10 =	vadd.f32 v10, v4  }
0x7f: {  	v13 =	vld [tilespmem:s19+$0x9E10];
	[tilespmem:s3+$0x9E20] =	vst v12;
	v8 =	vadd.f32 v8, v3  }
.Ltmp3:
0x80: {  	v12 =	vld [tilespmem:s19+$0x9E20];
	[tilespmem:s3+$0x9E30] =	vst v10;
	v9 =	vadd.f32 v9, v2;
	(pc) =	sbr.rel @p1 .LBB2_4-.Ltmp3, $4  }
0x81: {  	v10 =	vld [tilespmem:s19+$0x9E30];
	[tilespmem:s3+$0x9E40] =	vst v8;
	v11 =	vadd.f32 v11, v1  }
0x82: {  	v8 =	vld [tilespmem:s19+$0x9E40];
	[tilespmem:s3+$0x9E50] =	vst v9;
	v16 =	vadd.f32 v14, v0  }
0x83: {  	v14 =	vadd.f32 v15, v6;
	v9 =	vld [tilespmem:s19+$0x9E50];
	[tilespmem:s3+$0x9E60] =	vst v11  }
0x84: {  	s17 =	sadd.s32 $0x200, s17;
	v13 =	vadd.f32 v13, v7;
	v11 =	vld [tilespmem:s19+$0x9E60];
	[tilespmem:s3+$0x9E70] =	vst v16;
	s3 =	smov.u32 s19  }
0x85: {  	[tilespmem:s3+$0x9E00] =	vst v14;
	v5 =	vadd.f32 v12, v5;
	v6 =	vld [tilespmem:s3+$0x9E70]  }
0x86: {  	[tilespmem:s3+$0x9E10] =	vst v13;
	v4 =	vadd.f32 v10, v4  }
0x87: {  	[tilespmem:s3+$0x9E20] =	vst v5;
	v3 =	vadd.f32 v8, v3  }
0x88: {  	[tilespmem:s3+$0x9E30] =	vst v4;
	v2 =	vadd.f32 v9, v2  }
0x89: {  	[tilespmem:s3+$0x9E40] =	vst v3;
	v1 =	vadd.f32 v11, v1  }
0x8a: {  	[tilespmem:s3+$0x9E50] =	vst v2;
	v0 =	vadd.f32 v6, v0  }
0x8b: {  	[tilespmem:s3+$0x9E60] =	vst v1  }
0x8c: {  	s19 =	simm.s32 $0x0;
	[tilespmem:s3+$0x9E70] =	vst v0  }
0x8d: {  	[hbm4b:s11+s19] =	stream.linear.scatter [tilespmem:s29], [sflag:$0x2], $0x8000, $0x38;
	[tilespmem:$0x11E00] =	vst v63  }
0x8e: {  	_ =	swait.ge [sflag:s21], $0x8000  }
0x8f: {  	[sflag:s21] =	ssyncset.done $0x0  }
0x90: {  	[sflag:s21] =	ssyncadd.s32 $0xFFFF8000  }
0x91: {  	[tilespmem:s28], [sflag:$0x2] =	stream.linear.gather [hbm4b:s12+s19], $0x100, $0x38;
	[tilespmem:$0x11E00] =	vst v63  }
0x92: {  	_ =	swait.ge [sflag:s21], $0x100  }
0x93: {  	[sflag:s21] =	ssyncset.done $0x0  }
0x94: {  	[sflag:s21] =	ssyncadd.s32 $0xFFFFFF00  }
0x95: {  	[tilespmem:s29], [sflag:$0x1] =	stream.indirect.gather [hbm4b:s1+s23], $0x80, s28, s23, $0xb8;
	[tilespmem:$0x11E00] =	vst v63  }
0x96: {  	_ = 	snop  }
0x97: {  	[tilespmem:s31], [sflag:$0x1] =	stream.indirect.gather [hbm4b:s1+s23], $0x80, s30, s23, $0xb8;
	[tilespmem:$0x11E00] =	vst v63  }
0x98: {  	_ =	swait.ge [sflag:s0], $0x4000  }
0x99: {  	[sflag:s0] =	ssyncset.done $0x0  }
0x9a: {  	[sflag:s0] =	ssyncadd.s32 $0xFFFFC000  }
0x9b: {  	_ =	swait.ge [sflag:s0], $0x4000  }
0x9c: {  	[sflag:s0] =	ssyncset.done $0x0  }
0x9d: {  	[sflag:s0] =	ssyncadd.s32 $0xFFFFC000  }
0x9e: {  	v6 =	vld [tilespmem:s13+$0x0]  }
0x9f: {  	v7 =	vld [tilespmem:s13+$0x10]  }
0xa0: {  	v5 =	vld [tilespmem:s13+$0x20]  }
0xa1: {  	v4 =	vld [tilespmem:s13+$0x30]  }
0xa2: {  	v3 =	vld [tilespmem:s13+$0x40]  }
0xa3: {  	v2 =	vld [tilespmem:s13+$0x50]  }
0xa4: {  	v1 =	vld [tilespmem:s13+$0x60]  }
0xa5: {  	s3 =	simm.s32 $0x0;
	v0 =	vld [tilespmem:s13+$0x70]  }
0xa6: {  	v11 =	vld [tilespmem:s3+$0x1E00]  }
0xa7: {  	v13 =	vld [tilespmem:s3+$0x1E10]  }
0xa8: {  	v12 =	vld [tilespmem:s3+$0x1E20]  }
0xa9: {  	v10 =	vld [tilespmem:s3+$0x1E30]  }
0xaa: {  	v8 =	vld [tilespmem:s3+$0x1E40]  }
0xab: {  	v9 =	vld [tilespmem:s3+$0x1E50];
	v14 =	vadd.f32 v11, v6  }
0xac: {  	s17 =	simm.s32 $0x200;
	v13 =	vadd.f32 v13, v7;
	v11 =	vld [tilespmem:s3+$0x1E60]  }
.LBB2_6:
0xad: {  	s19 =	sshra.s32 s17, $0x2;
	p1 =	sne.s32 s17, $0x1FE00;
	[tilespmem:s3+$0x1E00] =	vst v14;
	v12 =	vadd.f32 v12, v5;
	v14 =	vld [tilespmem:s3+$0x1E70]  }
0xae: {  	v15 =	vld [tilespmem:s19+$0x1E00];
	[tilespmem:s3+$0x1E10] =	vst v13;
	v10 =	vadd.f32 v10, v4  }
0xaf: {  	v13 =	vld [tilespmem:s19+$0x1E10];
	[tilespmem:s3+$0x1E20] =	vst v12;
	v8 =	vadd.f32 v8, v3  }
.Ltmp4:
0xb0: {  	v12 =	vld [tilespmem:s19+$0x1E20];
	[tilespmem:s3+$0x1E30] =	vst v10;
	v9 =	vadd.f32 v9, v2;
	(pc) =	sbr.rel @p1 .LBB2_6-.Ltmp4, $4  }
0xb1: {  	v10 =	vld [tilespmem:s19+$0x1E30];
	[tilespmem:s3+$0x1E40] =	vst v8;
	v11 =	vadd.f32 v11, v1  }
0xb2: {  	v8 =	vld [tilespmem:s19+$0x1E40];
	[tilespmem:s3+$0x1E50] =	vst v9;
	v16 =	vadd.f32 v14, v0  }
0xb3: {  	v14 =	vadd.f32 v15, v6;
	v9 =	vld [tilespmem:s19+$0x1E50];
	[tilespmem:s3+$0x1E60] =	vst v11  }
0xb4: {  	s17 =	sadd.s32 $0x200, s17;
	v13 =	vadd.f32 v13, v7;
	v11 =	vld [tilespmem:s19+$0x1E60];
	[tilespmem:s3+$0x1E70] =	vst v16;
	s3 =	smov.u32 s19  }
0xb5: {  	[tilespmem:s3+$0x1E00] =	vst v14;
	v5 =	vadd.f32 v12, v5;
	v6 =	vld [tilespmem:s3+$0x1E70]  }
0xb6: {  	[tilespmem:s3+$0x1E10] =	vst v13;
	v4 =	vadd.f32 v10, v4  }
0xb7: {  	[tilespmem:s3+$0x1E20] =	vst v5;
	v3 =	vadd.f32 v8, v3  }
0xb8: {  	[tilespmem:s3+$0x1E30] =	vst v4;
	v2 =	vadd.f32 v9, v2  }
0xb9: {  	[tilespmem:s3+$0x1E40] =	vst v3;
	v1 =	vadd.f32 v11, v1  }
0xba: {  	[tilespmem:s3+$0x1E50] =	vst v2;
	v0 =	vadd.f32 v6, v0  }
0xbb: {  	[tilespmem:s3+$0x1E60] =	vst v1  }
0xbc: {  	s19 =	simm.s32 $0x0;
	[tilespmem:s3+$0x1E70] =	vst v0  }
0xbd: {  	[hbm4b:s14+s19] =	stream.linear.scatter [tilespmem:s24], [sflag:$0x2], $0x8000, $0x38;
	[tilespmem:$0x11E00] =	vst v63  }
0xbe: {  	_ =	swait.ge [sflag:s21], $0x8000  }
0xbf: {  	[sflag:s21] =	ssyncset.done $0x0  }
0xc0: {  	[sflag:s21] =	ssyncadd.s32 $0xFFFF8000  }
0xc1: {  	_ =	swait.ge [sflag:s0], $0x4000  }
0xc2: {  	[sflag:s0] =	ssyncset.done $0x0  }
0xc3: {  	[sflag:s0] =	ssyncadd.s32 $0xFFFFC000  }
0xc4: {  	_ =	swait.ge [sflag:s0], $0x4000  }
0xc5: {  	[sflag:s0] =	ssyncset.done $0x0  }
0xc6: {  	[sflag:s0] =	ssyncadd.s32 $0xFFFFC000  }
0xc7: {  	v6 =	vld [tilespmem:s15+$0x0]  }
0xc8: {  	v7 =	vld [tilespmem:s15+$0x10]  }
0xc9: {  	v5 =	vld [tilespmem:s15+$0x20]  }
0xca: {  	v4 =	vld [tilespmem:s15+$0x30]  }
0xcb: {  	v3 =	vld [tilespmem:s15+$0x40]  }
0xcc: {  	v2 =	vld [tilespmem:s15+$0x50]  }
0xcd: {  	v1 =	vld [tilespmem:s15+$0x60]  }
0xce: {  	s3 =	simm.s32 $0x0;
	v0 =	vld [tilespmem:s15+$0x70]  }
0xcf: {  	v11 =	vld [tilespmem:s3+$0x9E00]  }
0xd0: {  	v13 =	vld [tilespmem:s3+$0x9E10]  }
0xd1: {  	v12 =	vld [tilespmem:s3+$0x9E20]  }
0xd2: {  	v10 =	vld [tilespmem:s3+$0x9E30]  }
0xd3: {  	v8 =	vld [tilespmem:s3+$0x9E40]  }
0xd4: {  	v9 =	vld [tilespmem:s3+$0x9E50];
	v14 =	vadd.f32 v11, v6  }
0xd5: {  	s17 =	simm.s32 $0x200;
	v13 =	vadd.f32 v13, v7;
	v11 =	vld [tilespmem:s3+$0x9E60]  }
.LBB2_8:
0xd6: {  	s19 =	sshra.s32 s17, $0x2;
	p1 =	sne.s32 s17, $0x1FE00;
	[tilespmem:s3+$0x9E00] =	vst v14;
	v12 =	vadd.f32 v12, v5;
	v14 =	vld [tilespmem:s3+$0x9E70]  }
0xd7: {  	v15 =	vld [tilespmem:s19+$0x9E00];
	[tilespmem:s3+$0x9E10] =	vst v13;
	v10 =	vadd.f32 v10, v4  }
0xd8: {  	v13 =	vld [tilespmem:s19+$0x9E10];
	[tilespmem:s3+$0x9E20] =	vst v12;
	v8 =	vadd.f32 v8, v3  }
.Ltmp5:
0xd9: {  	v12 =	vld [tilespmem:s19+$0x9E20];
	[tilespmem:s3+$0x9E30] =	vst v10;
	v9 =	vadd.f32 v9, v2;
	(pc) =	sbr.rel @p1 .LBB2_8-.Ltmp5, $4  }
0xda: {  	v10 =	vld [tilespmem:s19+$0x9E30];
	[tilespmem:s3+$0x9E40] =	vst v8;
	v11 =	vadd.f32 v11, v1  }
0xdb: {  	v8 =	vld [tilespmem:s19+$0x9E40];
	[tilespmem:s3+$0x9E50] =	vst v9;
	v16 =	vadd.f32 v14, v0  }
0xdc: {  	v14 =	vadd.f32 v15, v6;
	v9 =	vld [tilespmem:s19+$0x9E50];
	[tilespmem:s3+$0x9E60] =	vst v11  }
0xdd: {  	s17 =	sadd.s32 $0x200, s17;
	v13 =	vadd.f32 v13, v7;
	v11 =	vld [tilespmem:s19+$0x9E60];
	[tilespmem:s3+$0x9E70] =	vst v16;
	s3 =	smov.u32 s19  }
0xde: {  	[tilespmem:s3+$0x9E00] =	vst v14;
	v5 =	vadd.f32 v12, v5;
	v6 =	vld [tilespmem:s3+$0x9E70]  }
0xdf: {  	[tilespmem:s3+$0x9E10] =	vst v13;
	v4 =	vadd.f32 v10, v4  }
0xe0: {  	[tilespmem:s3+$0x9E20] =	vst v5;
	v3 =	vadd.f32 v8, v3  }
0xe1: {  	[tilespmem:s3+$0x9E30] =	vst v4;
	v2 =	vadd.f32 v9, v2  }
0xe2: {  	[tilespmem:s3+$0x9E40] =	vst v3;
	v1 =	vadd.f32 v11, v1  }
0xe3: {  	[tilespmem:s3+$0x9E50] =	vst v2;
	v0 =	vadd.f32 v6, v0  }
0xe4: {  	[tilespmem:s3+$0x9E60] =	vst v1  }
.Ltmp6:
0xe5: {  	[tilespmem:s3+$0x9E70] =	vst v0;
	(pc) =	sbr.rel @p0 .LBB2_13-.Ltmp6, $4  }
0xe6: {  	[hbm4b:s16+s4] =	stream.linear.scatter [tilespmem:s29], [sflag:$0x2], $0x8000, $0x38;
	[tilespmem:$0x11E00] =	vst v63  }
0xe7: {  	_ =	swait.ge [sflag:s21], $0x8000  }
0xe8: {  	[sflag:s21] =	ssyncset.done $0x0  }
0xe9: {  	[sflag:s21] =	ssyncadd.s32 $0xFFFF8000  }
0xea: {  	s3 =	simm.s32 $0x0;
	s17 =	rddreg [dreg:$0x4]  }
0xeb: {  	[tilespmem:s22], [sflag:$0x2] =	stream.linear.gather [hbm4b:s17+s3], $0x100, $0x38;
	[tilespmem:$0x11E00] =	vst v63  }
0xec: {  	_ =	swait.ge [sflag:s21], $0x100  }
0xed: {  	[sflag:s21] =	ssyncset.done $0x0  }
0xee: {  	[sflag:s21] =	ssyncadd.s32 $0xFFFFFF00  }
0xef: {  	[tilespmem:s24], [sflag:$0x1] =	stream.indirect.gather [hbm4b:s1+s23], $0x80, s22, s23, $0xb8;
	[tilespmem:$0x11E00] =	vst v63  }
0xf0: {  	_ = 	snop  }
0xf1: {  	[tilespmem:s26], [sflag:$0x1] =	stream.indirect.gather [hbm4b:s1+s23], $0x80, s25, s23, $0xb8;
	[tilespmem:$0x11E00] =	vst v63  }
0xf2: {  	_ =	swait.ge [sflag:s0], $0x4000  }
0xf3: {  	[sflag:s0] =	ssyncset.done $0x0  }
0xf4: {  	[sflag:s0] =	ssyncadd.s32 $0xFFFFC000  }
0xf5: {  	_ =	swait.ge [sflag:s0], $0x4000  }
0xf6: {  	[sflag:s0] =	ssyncset.done $0x0  }
0xf7: {  	[sflag:s0] =	ssyncadd.s32 $0xFFFFC000  }
0xf8: {  	v6 =	vld [tilespmem:s18+$0x0]  }
0xf9: {  	v7 =	vld [tilespmem:s18+$0x10]  }
0xfa: {  	v5 =	vld [tilespmem:s18+$0x20]  }
0xfb: {  	v4 =	vld [tilespmem:s18+$0x30]  }
0xfc: {  	v3 =	vld [tilespmem:s18+$0x40]  }
0xfd: {  	v2 =	vld [tilespmem:s18+$0x50]  }
0xfe: {  	v1 =	vld [tilespmem:s18+$0x60]  }
0xff: {  	s3 =	simm.s32 $0x0;
	v0 =	vld [tilespmem:s18+$0x70]  }
0x100: {  	v11 =	vld [tilespmem:s3+$0x1E00]  }
0x101: {  	v13 =	vld [tilespmem:s3+$0x1E10]  }
0x102: {  	v12 =	vld [tilespmem:s3+$0x1E20]  }
0x103: {  	v10 =	vld [tilespmem:s3+$0x1E30]  }
0x104: {  	v8 =	vld [tilespmem:s3+$0x1E40]  }
0x105: {  	v9 =	vld [tilespmem:s3+$0x1E50];
	v14 =	vadd.f32 v11, v6  }
0x106: {  	s17 =	simm.s32 $0x200;
	v13 =	vadd.f32 v13, v7;
	v11 =	vld [tilespmem:s3+$0x1E60]  }
.LBB2_11:
0x107: {  	s19 =	sshra.s32 s17, $0x2;
	p1 =	sne.s32 s17, $0x1FE00;
	[tilespmem:s3+$0x1E00] =	vst v14;
	v12 =	vadd.f32 v12, v5;
	v14 =	vld [tilespmem:s3+$0x1E70]  }
0x108: {  	v10 =	vadd.f32 v10, v4;
	v15 =	vld [tilespmem:s19+$0x1E00];
	[tilespmem:s3+$0x1E10] =	vst v13  }
0x109: {  	v8 =	vadd.f32 v8, v3;
	v13 =	vld [tilespmem:s19+$0x1E10];
	[tilespmem:s3+$0x1E20] =	vst v12  }
.Ltmp7:
0x10a: {  	v9 =	vadd.f32 v9, v2;
	v12 =	vld [tilespmem:s19+$0x1E20];
	[tilespmem:s3+$0x1E30] =	vst v10;
	(pc) =	sbr.rel @p1 .LBB2_11-.Ltmp7, $4  }
0x10b: {  	v11 =	vadd.f32 v11, v1;
	v10 =	vld [tilespmem:s19+$0x1E30];
	[tilespmem:s3+$0x1E40] =	vst v8  }
0x10c: {  	v8 =	vld [tilespmem:s19+$0x1E40];
	[tilespmem:s3+$0x1E50] =	vst v9;
	v16 =	vadd.f32 v14, v0  }
0x10d: {  	v14 =	vadd.f32 v15, v6;
	v9 =	vld [tilespmem:s19+$0x1E50];
	[tilespmem:s3+$0x1E60] =	vst v11  }
0x10e: {  	s17 =	sadd.s32 $0x200, s17;
	v13 =	vadd.f32 v13, v7;
	v11 =	vld [tilespmem:s19+$0x1E60];
	[tilespmem:s3+$0x1E70] =	vst v16;
	s3 =	smov.u32 s19  }
.Ltmp8:
0x10f: {  	_ = 	snop;
	(pc) =	sbr.rel .LBB2_12-.Ltmp8, $1  }
0x110: {  	_ =	sdelay $0x3  }
.LBB2_14:
0x111: {  	_ =	sfence.sel $0x180000  }
0x112: {  	[bflag:$0x0] =	sbarrier.arrive $0xFFFF  }
0x113: {  	_ =	strace $0x90000047  }
0x114: {  	s0 =	stileid.u32;
	[bflag:$0x2] =	sbarrier.arrive $0xFFFF  }
0x115: {  	p0 =	sne.s32 s0, $0x0;
	s0 =	rddreg [dreg:$0x3]  }
0x116: {  	s0 =	sadd.s32 @!p0 $0x100000, s0  }
0x117: {  	[sflag:s0] =	ssyncadd.tile.s32 @!p0 $0x1;
	_ =	shalt  }
.Lfunc_end2:
_tile_overlayer_lowered:
.L_overlay_start_2:
0x118: {  	(tag) =	ssettag $0x2  }
0x119: {  	s0 =	rddreg [dreg:$0x0];
	s2 =	stileid.u32  }
0x11a: {  	s1 =	rddreg [dreg:$0x1];
	p0 =	sne.s32 s2, $0x0  }
0x11b: {  	s3 =	rddreg [dreg:$0x2];
	[bflag:$0x3] =	sbarrier.arrive $0xFFFF;
	s2 =	simm.s32 @!p0 $0x1C02  }
0x11c: {  	[timem:s3], [sflag:s2] =	dma.local @!p0 [hbm:s0], s1  }
0x11d: {  	s0 =	simm.s32 @!p0 $0x2  }
0x11e: {  	_ =	swait.ge @!p0 [sflag:s0], s1  }
0x11f: {  	s1 =	ssub.s32 @!p0 $0x0, s1;
	[sflag:s0] =	ssyncset.done @!p0 $0x0  }
0x120: {  	[sflag:s0] =	ssyncadd.s32 @!p0 s1  }
0x121: {  	[bflag:$0x3] =	sbarrier.arrive $0xFFFF  }
0x122: {  	_ =	shalt  }

</sc_bundles>
